<compile_context>
chip_gen: v7x
topology: tpu7x:2x2x1
jax: 0.10.2.dev20260603
libtpu: 0.0.44.dev20260713+nightly
codegen_flags: <defaults>
</compile_context>

<pallas_src>
import jax
import jax.numpy as jnp
from jax import lax
from jax.experimental import pallas as pl
from jax.experimental.pallas import tpu as pltpu
from jax.experimental.pallas import tpu_sc as plsc
from jax._src.pallas import mpmd
from jax._src.pallas import core as _pallas_core
from jax._src.pallas.mosaic import core as _tpu_core

_NC = 2
_NS = 16
_NW = _NC * _NS

_B = 16384 * 200
_PER_W = _B // _NW
_C = 12800
_NCHUNK = _PER_W // _C
_NBUF = 2


def _scs_body(arr_hbm, k_hbm, out_hbm, *scratch):
    table_sp = scratch[2 * _NBUF + 3]
    rdy = scratch[2 * _NBUF + 4]
    pltpu.sync_copy(arr_hbm, table_sp)

    def _sig(t, carry):
        pl.semaphore_signal(rdy, 1, device_id={"s": t})
        return carry

    lax.fori_loop(0, _NS, _sig, 0)


def _tec_body(arr_hbm, k_hbm, out_hbm, *scratch):
    idx_v = scratch[0:_NBUF]
    vals_v = scratch[_NBUF:2 * _NBUF]
    sem_i, sem_g, sem_s = scratch[2 * _NBUF:2 * _NBUF + 3]
    table_sp = scratch[2 * _NBUF + 3]
    rdy = scratch[2 * _NBUF + 4]
    sid = lax.axis_index("s")
    wid = sid * _NC + lax.axis_index("c")
    base = wid * _PER_W

    def icopy(g, b):
        return pltpu.make_async_copy(
            k_hbm.at[pl.ds(base + g * _C, _C)], idx_v[b], sem_i.at[b])

    for b in range(_NBUF):
        icopy(b, b).start()

    pl.semaphore_wait(rdy, 1)

    def gcopy(b):
        return pltpu.make_async_copy(
            table_sp.at[idx_v[b]], vals_v[b], sem_g.at[b])

    def scopy(g, b):
        return pltpu.make_async_copy(
            vals_v[b], out_hbm.at[pl.ds(base + g * _C, _C)], sem_s.at[b])

    icopy(0, 0).wait()
    gcopy(0).start()
    for g in range(1, _NCHUNK):
        b, pb = g % _NBUF, (g - 1) % _NBUF
        icopy(g, b).wait()
        if g >= _NBUF:
            scopy(g - _NBUF, b).wait()
        gcopy(b).start()
        gcopy(pb).wait()
        scopy(g - 1, pb).start()
        if g - 1 + _NBUF < _NCHUNK:
            icopy(g - 1 + _NBUF, pb).start()
    lb = (_NCHUNK - 1) % _NBUF
    gcopy(lb).wait()
    scopy(_NCHUNK - 1, lb).start()
    for g in range(_NCHUNK - _NBUF, _NCHUNK):
        scopy(g, g % _NBUF).wait()


def _vmem_tec(mesh):
    return _pallas_core.CoreMemorySpace(_tpu_core.MemorySpace.VMEM, mesh)


def _sem_tec(mesh):
    return _pallas_core.CoreMemorySpace(_tpu_core.MemorySpace.SEMAPHORE, mesh)


@jax.jit
def kernel(arr, k):
    kf = k.reshape(-1).astype(jnp.int32)
    smesh = plsc.ScalarSubcoreMesh(axis_name="c", num_cores=_NC)
    vmesh = plsc.VectorSubcoreMesh(core_axis_name="c", subcore_axis_name="s")
    gather = mpmd.mpmd_map(
        [(smesh, _scs_body), (vmesh, _tec_body)],
        out_types=jax.ShapeDtypeStruct((_B,), jnp.float32),
        scratch_types=(
            [_vmem_tec(vmesh)((_C,), jnp.int32) for _ in range(_NBUF)]
            + [_vmem_tec(vmesh)((_C,), jnp.float32) for _ in range(_NBUF)]
            + [_sem_tec(vmesh)((_NBUF,), _tpu_core.SemaphoreType.DMA.dtype)] * 3
            + [pltpu.VMEM_SHARED((1000000,), jnp.float32)]
            + [_tpu_core.SemaphoreType.REGULAR @ vmesh]
        ),
    )
    out = gather(arr, kf)
    return out.reshape(k.shape)

# --- scband reference (transcript-rebuilt; emitter-appended) ---
"""Pipeline reference for scband-tabulated-recurrence-coefficient-86638080295028 (READ-ONLY COPY).

The authoritative reference and input builder live on the scoring server;
editing this copy changes nothing except your own understanding.
"""

import jax, jax.numpy as jnp
import numpy as np


def setup_inputs(seed: int = 0) -> dict:
    key = jax.random.key(seed)
    k_arr, k_idx = jax.random.split(key)
    arr = jax.random.normal(k_arr, (1000000,), dtype=jnp.float32)
    k = jax.random.randint(k_idx, (16384, 200), 0, 1000000, dtype=jnp.int64)
    return {"arr": arr, "k": k}


def reference(arr, k):
    # Faithful translation of TabulatedRecurrenceCoefficient.__getitem__
    # (eqx.error_if bounds check omitted; indices are generated in-range).
    k = jnp.asarray(k)
    return jnp.where(k >= 0, arr[k], 0)

if __name__ == "__main__":
    import jax
    _d = setup_inputs()
    print(jax.jit(kernel)(*tuple(_d.values())))

</pallas_src>

<mosaic_0001>
#map = affine_map<(d0) -> (0)>
#map1 = affine_map<(d0, d1) -> (0)>
module attributes {stable_mosaic.version = 14 : i64} {
  func.func @_scs_body(%arg0: i32, %arg1: memref<1000000xf32, #tpu.memory_space<hbm>>, %arg2: memref<3276800xi32, #tpu.memory_space<hbm>>, %arg3: memref<3276800xf32, #tpu.memory_space<hbm>>, %arg4: memref<12800xi32, #tpu.memory_space<vmem, sc_vector_subcore>>, %arg5: memref<12800xi32, #tpu.memory_space<vmem, sc_vector_subcore>>, %arg6: memref<12800xf32, #tpu.memory_space<vmem, sc_vector_subcore>>, %arg7: memref<12800xf32, #tpu.memory_space<vmem, sc_vector_subcore>>, %arg8: memref<2x!tpu.dma_semaphore, #tpu.memory_space<semaphore_mem, sc_vector_subcore>>, %arg9: memref<2x!tpu.dma_semaphore, #tpu.memory_space<semaphore_mem, sc_vector_subcore>>, %arg10: memref<2x!tpu.dma_semaphore, #tpu.memory_space<semaphore_mem, sc_vector_subcore>>, %arg11: memref<1000000xf32, #tpu.memory_space<vmem_shared>>, %arg12: memref<!tpu.semaphore, #tpu.memory_space<semaphore_mem, sc_vector_subcore>>) attributes {dimension_semantics = [#tpu.dimension_semantics<core_parallel>], iteration_bounds = array<i64: 2>, scalar_prefetch = 0 : i64, scratch_operands = 9 : i64, tpu.core_type = #tpu.core_type<sc_scalar_subcore>, window_params = [{transform_indices = #map}, {transform_indices = #map}, {transform_indices = #map}]} {
    "tpu.region"() ({
      %run_scoped3A = tpu.sem_alloc : memref<!tpu.dma_semaphore, #tpu.memory_space<semaphore_mem>>
      tpu.enqueue_dma source(%arg1 : memref<1000000xf32, #tpu.memory_space<hbm>>) target(%arg11 : memref<1000000xf32, #tpu.memory_space<vmem_shared>>) target_semaphore(%run_scoped3A : memref<!tpu.dma_semaphore, #tpu.memory_space<semaphore_mem>>)
      tpu.wait_dma2 semaphore(%run_scoped3A : memref<!tpu.dma_semaphore, #tpu.memory_space<semaphore_mem>>) src(%arg1 : memref<1000000xf32, #tpu.memory_space<hbm>>) dst(%arg11 : memref<1000000xf32, #tpu.memory_space<vmem_shared>>)
      tpu.yield
    }) : () -> ()
    %scan3A = arith.constant 0 : i32
    %scan3A_0 = arith.constant 0 : i32
    %scan3A_1 = arith.constant 16 : i32
    %scan3A_2 = arith.addi %scan3A_0, %scan3A_1 : i32
    %scan3A_3 = arith.constant 1 : i32
    scf.for %scan3A_5 = %scan3A_0 to %scan3A_2 step %scan3A_3  : i32 {
      %semaphore_signal3A = arith.constant 1 : i32
      tpu.sem_signal %arg12, %semaphore_signal3A core_id %arg0 subcore_id %scan3A_5 : memref<!tpu.semaphore, #tpu.memory_space<semaphore_mem, sc_vector_subcore>>
    }
    %scan3A_4 = arith.constant 16 : i32
    return
  }
  func.func @_tec_body(%arg0: i32, %arg1: i32, %arg2: memref<1000000xf32, #tpu.memory_space<hbm>>, %arg3: memref<3276800xi32, #tpu.memory_space<hbm>>, %arg4: memref<3276800xf32, #tpu.memory_space<hbm>>, %arg5: memref<12800xi32, #tpu.memory_space<vmem>>, %arg6: memref<12800xi32, #tpu.memory_space<vmem>>, %arg7: memref<12800xf32, #tpu.memory_space<vmem>>, %arg8: memref<12800xf32, #tpu.memory_space<vmem>>, %arg9: memref<2x!tpu.dma_semaphore, #tpu.memory_space<semaphore_mem>>, %arg10: memref<2x!tpu.dma_semaphore, #tpu.memory_space<semaphore_mem>>, %arg11: memref<2x!tpu.dma_semaphore, #tpu.memory_space<semaphore_mem>>, %arg12: memref<1000000xf32, #tpu.memory_space<vmem_shared>>, %arg13: memref<!tpu.semaphore, #tpu.memory_space<semaphore_mem>>) attributes {dimension_semantics = [#tpu.dimension_semantics<core_parallel>, #tpu.dimension_semantics<subcore_parallel>], iteration_bounds = array<i64: 2, 16>, scalar_prefetch = 0 : i64, scratch_operands = 9 : i64, tpu.core_type = #tpu.core_type<sc_vector_subcore>, window_params = [{transform_indices = #map1}, {transform_indices = #map1}, {transform_indices = #map1}]} {
    %mul3A = arith.constant 2 : i32
    %mul3A_0 = arith.muli %arg1, %mul3A : i32
    %add3A = arith.addi %mul3A_0, %arg0 : i32
    %mul3A_1 = arith.constant 102400 : i32
    %mul3A_2 = arith.muli %add3A, %mul3A_1 : i32
    %add3A_3 = arith.constant 0 : i32
    %add3A_4 = arith.addi %mul3A_2, %add3A_3 : i32
    %dma_start3A = arith.constant 0 : i32
    %dma_start3A_5 = tpu.memref_slice %arg3[%add3A_4] : memref<3276800xi32, #tpu.memory_space<hbm>> -> memref<12800xi32, #tpu.memory_space<hbm>>
    %dma_start3A_6 = tpu.memref_slice %arg9[%dma_start3A] : memref<2x!tpu.dma_semaphore, #tpu.memory_space<semaphore_mem>> -> memref<1x!tpu.dma_semaphore, #tpu.memory_space<semaphore_mem>>
    %dma_start3A_7 = tpu.memref_squeeze %dma_start3A_6 : memref<1x!tpu.dma_semaphore, #tpu.memory_space<semaphore_mem>> -> memref<!tpu.dma_semaphore, #tpu.memory_space<semaphore_mem>>
    %dma_start3A_8 = tpu.memref_slice %arg3[%add3A_4] : memref<3276800xi32, #tpu.memory_space<hbm>> -> memref<12800xi32, #tpu.memory_space<hbm>>
    tpu.enqueue_dma source(%dma_start3A_8 : memref<12800xi32, #tpu.memory_space<hbm>>) target(%arg5 : memref<12800xi32, #tpu.memory_space<vmem>>) target_semaphore(%dma_start3A_7 : memref<!tpu.dma_semaphore, #tpu.memory_space<semaphore_mem>>)
    %add3A_9 = arith.constant 12800 : i32
    %add3A_10 = arith.addi %mul3A_2, %add3A_9 : i32
    %dma_start3A_11 = arith.constant 1 : i32
    %dma_start3A_12 = tpu.memref_slice %arg3[%add3A_10] : memref<3276800xi32, #tpu.memory_space<hbm>> -> memref<12800xi32, #tpu.memory_space<hbm>>
    %dma_start3A_13 = tpu.memref_slice %arg9[%dma_start3A_11] : memref<2x!tpu.dma_semaphore, #tpu.memory_space<semaphore_mem>> -> memref<1x!tpu.dma_semaphore, #tpu.memory_space<semaphore_mem>>
    %dma_start3A_14 = tpu.memref_squeeze %dma_start3A_13 : memref<1x!tpu.dma_semaphore, #tpu.memory_space<semaphore_mem>> -> memref<!tpu.dma_semaphore, #tpu.memory_space<semaphore_mem>>
    %dma_start3A_15 = tpu.memref_slice %arg3[%add3A_10] : memref<3276800xi32, #tpu.memory_space<hbm>> -> memref<12800xi32, #tpu.memory_space<hbm>>
    tpu.enqueue_dma source(%dma_start3A_15 : memref<12800xi32, #tpu.memory_space<hbm>>) target(%arg6 : memref<12800xi32, #tpu.memory_space<vmem>>) target_semaphore(%dma_start3A_14 : memref<!tpu.dma_semaphore, #tpu.memory_space<semaphore_mem>>)
    %semaphore_wait3A = arith.constant 1 : i32
    %semaphore_wait3A_16 = arith.constant true
    tpu.sem_wait %arg13, %semaphore_wait3A : memref<!tpu.semaphore, #tpu.memory_space<semaphore_mem>>
    %add3A_17 = arith.constant 0 : i32
    %add3A_18 = arith.addi %mul3A_2, %add3A_17 : i32
    %dma_wait3A = arith.constant 0 : i32
    %dma_wait3A_19 = tpu.memref_slice %arg3[%add3A_18] : memref<3276800xi32, #tpu.memory_space<hbm>> -> memref<12800xi32, #tpu.memory_space<hbm>>
    %dma_wait3A_20 = tpu.memref_slice %arg9[%dma_wait3A] : memref<2x!tpu.dma_semaphore, #tpu.memory_space<semaphore_mem>> -> memref<1x!tpu.dma_semaphore, #tpu.memory_space<semaphore_mem>>
    %dma_wait3A_21 = tpu.memref_squeeze %dma_wait3A_20 : memref<1x!tpu.dma_semaphore, #tpu.memory_space<semaphore_mem>> -> memref<!tpu.dma_semaphore, #tpu.memory_space<semaphore_mem>>
    %dma_wait3A_22 = tpu.memref_slice %arg3[%add3A_18] : memref<3276800xi32, #tpu.memory_space<hbm>> -> memref<12800xi32, #tpu.memory_space<hbm>>
    tpu.wait_dma2 semaphore(%dma_wait3A_21 : memref<!tpu.dma_semaphore, #tpu.memory_space<semaphore_mem>>) src(%dma_wait3A_22 : memref<12800xi32, #tpu.memory_space<hbm>>) dst(%arg5 : memref<12800xi32, #tpu.memory_space<vmem>>)
    %dma_start3A_23 = arith.constant 0 : i32
    %dma_start3A_24 = arith.constant 0 : i32
    %dma_start3A_25 = tpu.memref_slice %arg12[%dma_start3A_24] : memref<1000000xf32, #tpu.memory_space<vmem_shared>> -> memref<1000000xf32, #tpu.memory_space<vmem_shared>>
    %dma_start3A_26 = tpu.memref_slice %arg10[%dma_start3A_23] : memref<2x!tpu.dma_semaphore, #tpu.memory_space<semaphore_mem>> -> memref<1x!tpu.dma_semaphore, #tpu.memory_space<semaphore_mem>>
    %dma_start3A_27 = tpu.memref_squeeze %dma_start3A_26 : memref<1x!tpu.dma_semaphore, #tpu.memory_space<semaphore_mem>> -> memref<!tpu.dma_semaphore, #tpu.memory_space<semaphore_mem>>
    tpu.enqueue_indirect_dma source(%dma_start3A_25 : memref<1000000xf32, #tpu.memory_space<vmem_shared>>) target(%arg7 : memref<12800xf32, #tpu.memory_space<vmem>>) offsets(%arg5 : memref<12800xi32, #tpu.memory_space<vmem>>) semaphore(%dma_start3A_27 : memref<!tpu.dma_semaphore, #tpu.memory_space<semaphore_mem>>)
    %add3A_28 = arith.constant 12800 : i32
    %add3A_29 = arith.addi %mul3A_2, %add3A_28 : i32
    %dma_wait3A_30 = arith.constant 1 : i32
    %dma_wait3A_31 = tpu.memref_slice %arg3[%add3A_29] : memref<3276800xi32, #tpu.memory_space<hbm>> -> memref<12800xi32, #tpu.memory_space<hbm>>
    %dma_wait3A_32 = tpu.memref_slice %arg9[%dma_wait3A_30] : memref<2x!tpu.dma_semaphore, #tpu.memory_space<semaphore_mem>> -> memref<1x!tpu.dma_semaphore, #tpu.memory_space<semaphore_mem>>
    %dma_wait3A_33 = tpu.memref_squeeze %dma_wait3A_32 : memref<1x!tpu.dma_semaphore, #tpu.memory_space<semaphore_mem>> -> memref<!tpu.dma_semaphore, #tpu.memory_space<semaphore_mem>>
    %dma_wait3A_34 = tpu.memref_slice %arg3[%add3A_29] : memref<3276800xi32, #tpu.memory_space<hbm>> -> memref<12800xi32, #tpu.memory_space<hbm>>
    tpu.wait_dma2 semaphore(%dma_wait3A_33 : memref<!tpu.dma_semaphore, #tpu.memory_space<semaphore_mem>>) src(%dma_wait3A_34 : memref<12800xi32, #tpu.memory_space<hbm>>) dst(%arg6 : memref<12800xi32, #tpu.memory_space<vmem>>)
    %dma_start3A_35 = arith.constant 1 : i32
    %dma_start3A_36 = arith.constant 0 : i32
    %dma_start3A_37 = tpu.memref_slice %arg12[%dma_start3A_36] : memref<1000000xf32, #tpu.memory_space<vmem_shared>> -> memref<1000000xf32, #tpu.memory_space<vmem_shared>>
    %dma_start3A_38 = tpu.memref_slice %arg10[%dma_start3A_35] : memref<2x!tpu.dma_semaphore, #tpu.memory_space<semaphore_mem>> -> memref<1x!tpu.dma_semaphore, #tpu.memory_space<semaphore_mem>>
    %dma_start3A_39 = tpu.memref_squeeze %dma_start3A_38 : memref<1x!tpu.dma_semaphore, #tpu.memory_space<semaphore_mem>> -> memref<!tpu.dma_semaphore, #tpu.memory_space<semaphore_mem>>
    tpu.enqueue_indirect_dma source(%dma_start3A_37 : memref<1000000xf32, #tpu.memory_space<vmem_shared>>) target(%arg8 : memref<12800xf32, #tpu.memory_space<vmem>>) offsets(%arg6 : memref<12800xi32, #tpu.memory_space<vmem>>) semaphore(%dma_start3A_39 : memref<!tpu.dma_semaphore, #tpu.memory_space<semaphore_mem>>)
    %dma_wait3A_40 = arith.constant 0 : i32
    %dma_wait3A_41 = arith.constant 0 : i32
    %dma_wait3A_42 = tpu.memref_slice %arg12[%dma_wait3A_41] : memref<1000000xf32, #tpu.memory_space<vmem_shared>> -> memref<1000000xf32, #tpu.memory_space<vmem_shared>>
    %dma_wait3A_43 = tpu.memref_slice %arg10[%dma_wait3A_40] : memref<2x!tpu.dma_semaphore, #tpu.memory_space<semaphore_mem>> -> memref<1x!tpu.dma_semaphore, #tpu.memory_space<semaphore_mem>>
    %dma_wait3A_44 = tpu.memref_squeeze %dma_wait3A_43 : memref<1x!tpu.dma_semaphore, #tpu.memory_space<semaphore_mem>> -> memref<!tpu.dma_semaphore, #tpu.memory_space<semaphore_mem>>
    tpu.wait_indirect_dma semaphore(%dma_wait3A_44 : memref<!tpu.dma_semaphore, #tpu.memory_space<semaphore_mem>>) src(%dma_wait3A_42 : memref<1000000xf32, #tpu.memory_space<vmem_shared>>) dst(%arg7 : memref<12800xf32, #tpu.memory_space<vmem>>)
    %add3A_45 = arith.constant 0 : i32
    %add3A_46 = arith.addi %mul3A_2, %add3A_45 : i32
    %dma_start3A_47 = arith.constant 0 : i32
    %dma_start3A_48 = tpu.memref_slice %arg4[%add3A_46] : memref<3276800xf32, #tpu.memory_space<hbm>> -> memref<12800xf32, #tpu.memory_space<hbm>>
    %dma_start3A_49 = tpu.memref_slice %arg11[%dma_start3A_47] : memref<2x!tpu.dma_semaphore, #tpu.memory_space<semaphore_mem>> -> memref<1x!tpu.dma_semaphore, #tpu.memory_space<semaphore_mem>>
    %dma_start3A_50 = tpu.memref_squeeze %dma_start3A_49 : memref<1x!tpu.dma_semaphore, #tpu.memory_space<semaphore_mem>> -> memref<!tpu.dma_semaphore, #tpu.memory_space<semaphore_mem>>
    %dma_start3A_51 = tpu.memref_slice %arg4[%add3A_46] : memref<3276800xf32, #tpu.memory_space<hbm>> -> memref<12800xf32, #tpu.memory_space<hbm>>
    tpu.enqueue_dma source(%arg7 : memref<12800xf32, #tpu.memory_space<vmem>>) target(%dma_start3A_51 : memref<12800xf32, #tpu.memory_space<hbm>>) target_semaphore(%dma_start3A_50 : memref<!tpu.dma_semaphore, #tpu.memory_space<semaphore_mem>>)
    %add3A_52 = arith.constant 25600 : i32
    %add3A_53 = arith.addi %mul3A_2, %add3A_52 : i32
    %dma_start3A_54 = arith.constant 0 : i32
    %dma_start3A_55 = tpu.memref_slice %arg3[%add3A_53] : memref<3276800xi32, #tpu.memory_space<hbm>> -> memref<12800xi32, #tpu.memory_space<hbm>>
    %dma_start3A_56 = tpu.memref_slice %arg9[%dma_start3A_54] : memref<2x!tpu.dma_semaphore, #tpu.memory_space<semaphore_mem>> -> memref<1x!tpu.dma_semaphore, #tpu.memory_space<semaphore_mem>>
    %dma_start3A_57 = tpu.memref_squeeze %dma_start3A_56 : memref<1x!tpu.dma_semaphore, #tpu.memory_space<semaphore_mem>> -> memref<!tpu.dma_semaphore, #tpu.memory_space<semaphore_mem>>
    %dma_start3A_58 = tpu.memref_slice %arg3[%add3A_53] : memref<3276800xi32, #tpu.memory_space<hbm>> -> memref<12800xi32, #tpu.memory_space<hbm>>
    tpu.enqueue_dma source(%dma_start3A_58 : memref<12800xi32, #tpu.memory_space<hbm>>) target(%arg5 : memref<12800xi32, #tpu.memory_space<vmem>>) target_semaphore(%dma_start3A_57 : memref<!tpu.dma_semaphore, #tpu.memory_space<semaphore_mem>>)
    %add3A_59 = arith.constant 25600 : i32
    %add3A_60 = arith.addi %mul3A_2, %add3A_59 : i32
    %dma_wait3A_61 = arith.constant 0 : i32
    %dma_wait3A_62 = tpu.memref_slice %arg3[%add3A_60] : memref<3276800xi32, #tpu.memory_space<hbm>> -> memref<12800xi32, #tpu.memory_space<hbm>>
    %dma_wait3A_63 = tpu.memref_slice %arg9[%dma_wait3A_61] : memref<2x!tpu.dma_semaphore, #tpu.memory_space<semaphore_mem>> -> memref<1x!tpu.dma_semaphore, #tpu.memory_space<semaphore_mem>>
    %dma_wait3A_64 = tpu.memref_squeeze %dma_wait3A_63 : memref<1x!tpu.dma_semaphore, #tpu.memory_space<semaphore_mem>> -> memref<!tpu.dma_semaphore, #tpu.memory_space<semaphore_mem>>
    %dma_wait3A_65 = tpu.memref_slice %arg3[%add3A_60] : memref<3276800xi32, #tpu.memory_space<hbm>> -> memref<12800xi32, #tpu.memory_space<hbm>>
    tpu.wait_dma2 semaphore(%dma_wait3A_64 : memref<!tpu.dma_semaphore, #tpu.memory_space<semaphore_mem>>) src(%dma_wait3A_65 : memref<12800xi32, #tpu.memory_space<hbm>>) dst(%arg5 : memref<12800xi32, #tpu.memory_space<vmem>>)
    %add3A_66 = arith.constant 0 : i32
    %add3A_67 = arith.addi %mul3A_2, %add3A_66 : i32
    %dma_wait3A_68 = arith.constant 0 : i32
    %dma_wait3A_69 = tpu.memref_slice %arg4[%add3A_67] : memref<3276800xf32, #tpu.memory_space<hbm>> -> memref<12800xf32, #tpu.memory_space<hbm>>
    %dma_wait3A_70 = tpu.memref_slice %arg11[%dma_wait3A_68] : memref<2x!tpu.dma_semaphore, #tpu.memory_space<semaphore_mem>> -> memref<1x!tpu.dma_semaphore, #tpu.memory_space<semaphore_mem>>
    %dma_wait3A_71 = tpu.memref_squeeze %dma_wait3A_70 : memref<1x!tpu.dma_semaphore, #tpu.memory_space<semaphore_mem>> -> memref<!tpu.dma_semaphore, #tpu.memory_space<semaphore_mem>>
    %dma_wait3A_72 = tpu.memref_slice %arg4[%add3A_67] : memref<3276800xf32, #tpu.memory_space<hbm>> -> memref<12800xf32, #tpu.memory_space<hbm>>
    tpu.wait_dma2 semaphore(%dma_wait3A_71 : memref<!tpu.dma_semaphore, #tpu.memory_space<semaphore_mem>>) src(%arg7 : memref<12800xf32, #tpu.memory_space<vmem>>) dst(%dma_wait3A_72 : memref<12800xf32, #tpu.memory_space<hbm>>)
    %dma_start3A_73 = arith.constant 0 : i32
    %dma_start3A_74 = arith.constant 0 : i32
    %dma_start3A_75 = tpu.memref_slice %arg12[%dma_start3A_74] : memref<1000000xf32, #tpu.memory_space<vmem_shared>> -> memref<1000000xf32, #tpu.memory_space<vmem_shared>>
    %dma_start3A_76 = tpu.memref_slice %arg10[%dma_start3A_73] : memref<2x!tpu.dma_semaphore, #tpu.memory_space<semaphore_mem>> -> memref<1x!tpu.dma_semaphore, #tpu.memory_space<semaphore_mem>>
    %dma_start3A_77 = tpu.memref_squeeze %dma_start3A_76 : memref<1x!tpu.dma_semaphore, #tpu.memory_space<semaphore_mem>> -> memref<!tpu.dma_semaphore, #tpu.memory_space<semaphore_mem>>
    tpu.enqueue_indirect_dma source(%dma_start3A_75 : memref<1000000xf32, #tpu.memory_space<vmem_shared>>) target(%arg7 : memref<12800xf32, #tpu.memory_space<vmem>>) offsets(%arg5 : memref<12800xi32, #tpu.memory_space<vmem>>) semaphore(%dma_start3A_77 : memref<!tpu.dma_semaphore, #tpu.memory_space<semaphore_mem>>)
    %dma_wait3A_78 = arith.constant 1 : i32
    %dma_wait3A_79 = arith.constant 0 : i32
    %dma_wait3A_80 = tpu.memref_slice %arg12[%dma_wait3A_79] : memref<1000000xf32, #tpu.memory_space<vmem_shared>> -> memref<1000000xf32, #tpu.memory_space<vmem_shared>>
    %dma_wait3A_81 = tpu.memref_slice %arg10[%dma_wait3A_78] : memref<2x!tpu.dma_semaphore, #tpu.memory_space<semaphore_mem>> -> memref<1x!tpu.dma_semaphore, #tpu.memory_space<semaphore_mem>>
    %dma_wait3A_82 = tpu.memref_squeeze %dma_wait3A_81 : memref<1x!tpu.dma_semaphore, #tpu.memory_space<semaphore_mem>> -> memref<!tpu.dma_semaphore, #tpu.memory_space<semaphore_mem>>
    tpu.wait_indirect_dma semaphore(%dma_wait3A_82 : memref<!tpu.dma_semaphore, #tpu.memory_space<semaphore_mem>>) src(%dma_wait3A_80 : memref<1000000xf32, #tpu.memory_space<vmem_shared>>) dst(%arg8 : memref<12800xf32, #tpu.memory_space<vmem>>)
    %add3A_83 = arith.constant 12800 : i32
    %add3A_84 = arith.addi %mul3A_2, %add3A_83 : i32
    %dma_start3A_85 = arith.constant 1 : i32
    %dma_start3A_86 = tpu.memref_slice %arg4[%add3A_84] : memref<3276800xf32, #tpu.memory_space<hbm>> -> memref<12800xf32, #tpu.memory_space<hbm>>
    %dma_start3A_87 = tpu.memref_slice %arg11[%dma_start3A_85] : memref<2x!tpu.dma_semaphore, #tpu.memory_space<semaphore_mem>> -> memref<1x!tpu.dma_semaphore, #tpu.memory_space<semaphore_mem>>
    %dma_start3A_88 = tpu.memref_squeeze %dma_start3A_87 : memref<1x!tpu.dma_semaphore, #tpu.memory_space<semaphore_mem>> -> memref<!tpu.dma_semaphore, #tpu.memory_space<semaphore_mem>>
    %dma_start3A_89 = tpu.memref_slice %arg4[%add3A_84] : memref<3276800xf32, #tpu.memory_space<hbm>> -> memref<12800xf32, #tpu.memory_space<hbm>>
    tpu.enqueue_dma source(%arg8 : memref<12800xf32, #tpu.memory_space<vmem>>) target(%dma_start3A_89 : memref<12800xf32, #tpu.memory_space<hbm>>) target_semaphore(%dma_start3A_88 : memref<!tpu.dma_semaphore, #tpu.memory_space<semaphore_mem>>)
    %add3A_90 = arith.constant 38400 : i32
    %add3A_91 = arith.addi %mul3A_2, %add3A_90 : i32
    %dma_start3A_92 = arith.constant 1 : i32
    %dma_start3A_93 = tpu.memref_slice %arg3[%add3A_91] : memref<3276800xi32, #tpu.memory_space<hbm>> -> memref<12800xi32, #tpu.memory_space<hbm>>
    %dma_start3A_94 = tpu.memref_slice %arg9[%dma_start3A_92] : memref<2x!tpu.dma_semaphore, #tpu.memory_space<semaphore_mem>> -> memref<1x!tpu.dma_semaphore, #tpu.memory_space<semaphore_mem>>
    %dma_start3A_95 = tpu.memref_squeeze %dma_start3A_94 : memref<1x!tpu.dma_semaphore, #tpu.memory_space<semaphore_mem>> -> memref<!tpu.dma_semaphore, #tpu.memory_space<semaphore_mem>>
    %dma_start3A_96 = tpu.memref_slice %arg3[%add3A_91] : memref<3276800xi32, #tpu.memory_space<hbm>> -> memref<12800xi32, #tpu.memory_space<hbm>>
    tpu.enqueue_dma source(%dma_start3A_96 : memref<12800xi32, #tpu.memory_space<hbm>>) target(%arg6 : memref<12800xi32, #tpu.memory_space<vmem>>) target_semaphore(%dma_start3A_95 : memref<!tpu.dma_semaphore, #tpu.memory_space<semaphore_mem>>)
    %add3A_97 = arith.constant 38400 : i32
    %add3A_98 = arith.addi %mul3A_2, %add3A_97 : i32
    %dma_wait3A_99 = arith.constant 1 : i32
    %dma_wait3A_100 = tpu.memref_slice %arg3[%add3A_98] : memref<3276800xi32, #tpu.memory_space<hbm>> -> memref<12800xi32, #tpu.memory_space<hbm>>
    %dma_wait3A_101 = tpu.memref_slice %arg9[%dma_wait3A_99] : memref<2x!tpu.dma_semaphore, #tpu.memory_space<semaphore_mem>> -> memref<1x!tpu.dma_semaphore, #tpu.memory_space<semaphore_mem>>
    %dma_wait3A_102 = tpu.memref_squeeze %dma_wait3A_101 : memref<1x!tpu.dma_semaphore, #tpu.memory_space<semaphore_mem>> -> memref<!tpu.dma_semaphore, #tpu.memory_space<semaphore_mem>>
    %dma_wait3A_103 = tpu.memref_slice %arg3[%add3A_98] : memref<3276800xi32, #tpu.memory_space<hbm>> -> memref<12800xi32, #tpu.memory_space<hbm>>
    tpu.wait_dma2 semaphore(%dma_wait3A_102 : memref<!tpu.dma_semaphore, #tpu.memory_space<semaphore_mem>>) src(%dma_wait3A_103 : memref<12800xi32, #tpu.memory_space<hbm>>) dst(%arg6 : memref<12800xi32, #tpu.memory_space<vmem>>)
    %add3A_104 = arith.constant 12800 : i32
    %add3A_105 = arith.addi %mul3A_2, %add3A_104 : i32
    %dma_wait3A_106 = arith.constant 1 : i32
    %dma_wait3A_107 = tpu.memref_slice %arg4[%add3A_105] : memref<3276800xf32, #tpu.memory_space<hbm>> -> memref<12800xf32, #tpu.memory_space<hbm>>
    %dma_wait3A_108 = tpu.memref_slice %arg11[%dma_wait3A_106] : memref<2x!tpu.dma_semaphore, #tpu.memory_space<semaphore_mem>> -> memref<1x!tpu.dma_semaphore, #tpu.memory_space<semaphore_mem>>
    %dma_wait3A_109 = tpu.memref_squeeze %dma_wait3A_108 : memref<1x!tpu.dma_semaphore, #tpu.memory_space<semaphore_mem>> -> memref<!tpu.dma_semaphore, #tpu.memory_space<semaphore_mem>>
    %dma_wait3A_110 = tpu.memref_slice %arg4[%add3A_105] : memref<3276800xf32, #tpu.memory_space<hbm>> -> memref<12800xf32, #tpu.memory_space<hbm>>
    tpu.wait_dma2 semaphore(%dma_wait3A_109 : memref<!tpu.dma_semaphore, #tpu.memory_space<semaphore_mem>>) src(%arg8 : memref<12800xf32, #tpu.memory_space<vmem>>) dst(%dma_wait3A_110 : memref<12800xf32, #tpu.memory_space<hbm>>)
    %dma_start3A_111 = arith.constant 1 : i32
    %dma_start3A_112 = arith.constant 0 : i32
    %dma_start3A_113 = tpu.memref_slice %arg12[%dma_start3A_112] : memref<1000000xf32, #tpu.memory_space<vmem_shared>> -> memref<1000000xf32, #tpu.memory_space<vmem_shared>>
    %dma_start3A_114 = tpu.memref_slice %arg10[%dma_start3A_111] : memref<2x!tpu.dma_semaphore, #tpu.memory_space<semaphore_mem>> -> memref<1x!tpu.dma_semaphore, #tpu.memory_space<semaphore_mem>>
    %dma_start3A_115 = tpu.memref_squeeze %dma_start3A_114 : memref<1x!tpu.dma_semaphore, #tpu.memory_space<semaphore_mem>> -> memref<!tpu.dma_semaphore, #tpu.memory_space<semaphore_mem>>
    tpu.enqueue_indirect_dma source(%dma_start3A_113 : memref<1000000xf32, #tpu.memory_space<vmem_shared>>) target(%arg8 : memref<12800xf32, #tpu.memory_space<vmem>>) offsets(%arg6 : memref<12800xi32, #tpu.memory_space<vmem>>) semaphore(%dma_start3A_115 : memref<!tpu.dma_semaphore, #tpu.memory_space<semaphore_mem>>)
    %dma_wait3A_116 = arith.constant 0 : i32
    %dma_wait3A_117 = arith.constant 0 : i32
    %dma_wait3A_118 = tpu.memref_slice %arg12[%dma_wait3A_117] : memref<1000000xf32, #tpu.memory_space<vmem_shared>> -> memref<1000000xf32, #tpu.memory_space<vmem_shared>>
    %dma_wait3A_119 = tpu.memref_slice %arg10[%dma_wait3A_116] : memref<2x!tpu.dma_semaphore, #tpu.memory_space<semaphore_mem>> -> memref<1x!tpu.dma_semaphore, #tpu.memory_space<semaphore_mem>>
    %dma_wait3A_120 = tpu.memref_squeeze %dma_wait3A_119 : memref<1x!tpu.dma_semaphore, #tpu.memory_space<semaphore_mem>> -> memref<!tpu.dma_semaphore, #tpu.memory_space<semaphore_mem>>
    tpu.wait_indirect_dma semaphore(%dma_wait3A_120 : memref<!tpu.dma_semaphore, #tpu.memory_space<semaphore_mem>>) src(%dma_wait3A_118 : memref<1000000xf32, #tpu.memory_space<vmem_shared>>) dst(%arg7 : memref<12800xf32, #tpu.memory_space<vmem>>)
    %add3A_121 = arith.constant 25600 : i32
    %add3A_122 = arith.addi %mul3A_2, %add3A_121 : i32
    %dma_start3A_123 = arith.constant 0 : i32
    %dma_start3A_124 = tpu.memref_slice %arg4[%add3A_122] : memref<3276800xf32, #tpu.memory_space<hbm>> -> memref<12800xf32, #tpu.memory_space<hbm>>
    %dma_start3A_125 = tpu.memref_slice %arg11[%dma_start3A_123] : memref<2x!tpu.dma_semaphore, #tpu.memory_space<semaphore_mem>> -> memref<1x!tpu.dma_semaphore, #tpu.memory_space<semaphore_mem>>
    %dma_start3A_126 = tpu.memref_squeeze %dma_start3A_125 : memref<1x!tpu.dma_semaphore, #tpu.memory_space<semaphore_mem>> -> memref<!tpu.dma_semaphore, #tpu.memory_space<semaphore_mem>>
    %dma_start3A_127 = tpu.memref_slice %arg4[%add3A_122] : memref<3276800xf32, #tpu.memory_space<hbm>> -> memref<12800xf32, #tpu.memory_space<hbm>>
    tpu.enqueue_dma source(%arg7 : memref<12800xf32, #tpu.memory_space<vmem>>) target(%dma_start3A_127 : memref<12800xf32, #tpu.memory_space<hbm>>) target_semaphore(%dma_start3A_126 : memref<!tpu.dma_semaphore, #tpu.memory_space<semaphore_mem>>)
    %add3A_128 = arith.constant 51200 : i32
    %add3A_129 = arith.addi %mul3A_2, %add3A_128 : i32
    %dma_start3A_130 = arith.constant 0 : i32
    %dma_start3A_131 = tpu.memref_slice %arg3[%add3A_129] : memref<3276800xi32, #tpu.memory_space<hbm>> -> memref<12800xi32, #tpu.memory_space<hbm>>
    %dma_start3A_132 = tpu.memref_slice %arg9[%dma_start3A_130] : memref<2x!tpu.dma_semaphore, #tpu.memory_space<semaphore_mem>> -> memref<1x!tpu.dma_semaphore, #tpu.memory_space<semaphore_mem>>
    %dma_start3A_133 = tpu.memref_squeeze %dma_start3A_132 : memref<1x!tpu.dma_semaphore, #tpu.memory_space<semaphore_mem>> -> memref<!tpu.dma_semaphore, #tpu.memory_space<semaphore_mem>>
    %dma_start3A_134 = tpu.memref_slice %arg3[%add3A_129] : memref<3276800xi32, #tpu.memory_space<hbm>> -> memref<12800xi32, #tpu.memory_space<hbm>>
    tpu.enqueue_dma source(%dma_start3A_134 : memref<12800xi32, #tpu.memory_space<hbm>>) target(%arg5 : memref<12800xi32, #tpu.memory_space<vmem>>) target_semaphore(%dma_start3A_133 : memref<!tpu.dma_semaphore, #tpu.memory_space<semaphore_mem>>)
    %add3A_135 = arith.constant 51200 : i32
    %add3A_136 = arith.addi %mul3A_2, %add3A_135 : i32
    %dma_wait3A_137 = arith.constant 0 : i32
    %dma_wait3A_138 = tpu.memref_slice %arg3[%add3A_136] : memref<3276800xi32, #tpu.memory_space<hbm>> -> memref<12800xi32, #tpu.memory_space<hbm>>
    %dma_wait3A_139 = tpu.memref_slice %arg9[%dma_wait3A_137] : memref<2x!tpu.dma_semaphore, #tpu.memory_space<semaphore_mem>> -> memref<1x!tpu.dma_semaphore, #tpu.memory_space<semaphore_mem>>
    %dma_wait3A_140 = tpu.memref_squeeze %dma_wait3A_139 : memref<1x!tpu.dma_semaphore, #tpu.memory_space<semaphore_mem>> -> memref<!tpu.dma_semaphore, #tpu.memory_space<semaphore_mem>>
    %dma_wait3A_141 = tpu.memref_slice %arg3[%add3A_136] : memref<3276800xi32, #tpu.memory_space<hbm>> -> memref<12800xi32, #tpu.memory_space<hbm>>
    tpu.wait_dma2 semaphore(%dma_wait3A_140 : memref<!tpu.dma_semaphore, #tpu.memory_space<semaphore_mem>>) src(%dma_wait3A_141 : memref<12800xi32, #tpu.memory_space<hbm>>) dst(%arg5 : memref<12800xi32, #tpu.memory_space<vmem>>)
    %add3A_142 = arith.constant 25600 : i32
    %add3A_143 = arith.addi %mul3A_2, %add3A_142 : i32
    %dma_wait3A_144 = arith.constant 0 : i32
    %dma_wait3A_145 = tpu.memref_slice %arg4[%add3A_143] : memref<3276800xf32, #tpu.memory_space<hbm>> -> memref<12800xf32, #tpu.memory_space<hbm>>
    %dma_wait3A_146 = tpu.memref_slice %arg11[%dma_wait3A_144] : memref<2x!tpu.dma_semaphore, #tpu.memory_space<semaphore_mem>> -> memref<1x!tpu.dma_semaphore, #tpu.memory_space<semaphore_mem>>
    %dma_wait3A_147 = tpu.memref_squeeze %dma_wait3A_146 : memref<1x!tpu.dma_semaphore, #tpu.memory_space<semaphore_mem>> -> memref<!tpu.dma_semaphore, #tpu.memory_space<semaphore_mem>>
    %dma_wait3A_148 = tpu.memref_slice %arg4[%add3A_143] : memref<3276800xf32, #tpu.memory_space<hbm>> -> memref<12800xf32, #tpu.memory_space<hbm>>
    tpu.wait_dma2 semaphore(%dma_wait3A_147 : memref<!tpu.dma_semaphore, #tpu.memory_space<semaphore_mem>>) src(%arg7 : memref<12800xf32, #tpu.memory_space<vmem>>) dst(%dma_wait3A_148 : memref<12800xf32, #tpu.memory_space<hbm>>)
    %dma_start3A_149 = arith.constant 0 : i32
    %dma_start3A_150 = arith.constant 0 : i32
    %dma_start3A_151 = tpu.memref_slice %arg12[%dma_start3A_150] : memref<1000000xf32, #tpu.memory_space<vmem_shared>> -> memref<1000000xf32, #tpu.memory_space<vmem_shared>>
    %dma_start3A_152 = tpu.memref_slice %arg10[%dma_start3A_149] : memref<2x!tpu.dma_semaphore, #tpu.memory_space<semaphore_mem>> -> memref<1x!tpu.dma_semaphore, #tpu.memory_space<semaphore_mem>>
    %dma_start3A_153 = tpu.memref_squeeze %dma_start3A_152 : memref<1x!tpu.dma_semaphore, #tpu.memory_space<semaphore_mem>> -> memref<!tpu.dma_semaphore, #tpu.memory_space<semaphore_mem>>
    tpu.enqueue_indirect_dma source(%dma_start3A_151 : memref<1000000xf32, #tpu.memory_space<vmem_shared>>) target(%arg7 : memref<12800xf32, #tpu.memory_space<vmem>>) offsets(%arg5 : memref<12800xi32, #tpu.memory_space<vmem>>) semaphore(%dma_start3A_153 : memref<!tpu.dma_semaphore, #tpu.memory_space<semaphore_mem>>)
    %dma_wait3A_154 = arith.constant 1 : i32
    %dma_wait3A_155 = arith.constant 0 : i32
    %dma_wait3A_156 = tpu.memref_slice %arg12[%dma_wait3A_155] : memref<1000000xf32, #tpu.memory_space<vmem_shared>> -> memref<1000000xf32, #tpu.memory_space<vmem_shared>>
    %dma_wait3A_157 = tpu.memref_slice %arg10[%dma_wait3A_154] : memref<2x!tpu.dma_semaphore, #tpu.memory_space<semaphore_mem>> -> memref<1x!tpu.dma_semaphore, #tpu.memory_space<semaphore_mem>>
    %dma_wait3A_158 = tpu.memref_squeeze %dma_wait3A_157 : memref<1x!tpu.dma_semaphore, #tpu.memory_space<semaphore_mem>> -> memref<!tpu.dma_semaphore, #tpu.memory_space<semaphore_mem>>
    tpu.wait_indirect_dma semaphore(%dma_wait3A_158 : memref<!tpu.dma_semaphore, #tpu.memory_space<semaphore_mem>>) src(%dma_wait3A_156 : memref<1000000xf32, #tpu.memory_space<vmem_shared>>) dst(%arg8 : memref<12800xf32, #tpu.memory_space<vmem>>)
    %add3A_159 = arith.constant 38400 : i32
    %add3A_160 = arith.addi %mul3A_2, %add3A_159 : i32
    %dma_start3A_161 = arith.constant 1 : i32
    %dma_start3A_162 = tpu.memref_slice %arg4[%add3A_160] : memref<3276800xf32, #tpu.memory_space<hbm>> -> memref<12800xf32, #tpu.memory_space<hbm>>
    %dma_start3A_163 = tpu.memref_slice %arg11[%dma_start3A_161] : memref<2x!tpu.dma_semaphore, #tpu.memory_space<semaphore_mem>> -> memref<1x!tpu.dma_semaphore, #tpu.memory_space<semaphore_mem>>
    %dma_start3A_164 = tpu.memref_squeeze %dma_start3A_163 : memref<1x!tpu.dma_semaphore, #tpu.memory_space<semaphore_mem>> -> memref<!tpu.dma_semaphore, #tpu.memory_space<semaphore_mem>>
    %dma_start3A_165 = tpu.memref_slice %arg4[%add3A_160] : memref<3276800xf32, #tpu.memory_space<hbm>> -> memref<12800xf32, #tpu.memory_space<hbm>>
    tpu.enqueue_dma source(%arg8 : memref<12800xf32, #tpu.memory_space<vmem>>) target(%dma_start3A_165 : memref<12800xf32, #tpu.memory_space<hbm>>) target_semaphore(%dma_start3A_164 : memref<!tpu.dma_semaphore, #tpu.memory_space<semaphore_mem>>)
    %add3A_166 = arith.constant 64000 : i32
    %add3A_167 = arith.addi %mul3A_2, %add3A_166 : i32
    %dma_start3A_168 = arith.constant 1 : i32
    %dma_start3A_169 = tpu.memref_slice %arg3[%add3A_167] : memref<3276800xi32, #tpu.memory_space<hbm>> -> memref<12800xi32, #tpu.memory_space<hbm>>
    %dma_start3A_170 = tpu.memref_slice %arg9[%dma_start3A_168] : memref<2x!tpu.dma_semaphore, #tpu.memory_space<semaphore_mem>> -> memref<1x!tpu.dma_semaphore, #tpu.memory_space<semaphore_mem>>
    %dma_start3A_171 = tpu.memref_squeeze %dma_start3A_170 : memref<1x!tpu.dma_semaphore, #tpu.memory_space<semaphore_mem>> -> memref<!tpu.dma_semaphore, #tpu.memory_space<semaphore_mem>>
    %dma_start3A_172 = tpu.memref_slice %arg3[%add3A_167] : memref<3276800xi32, #tpu.memory_space<hbm>> -> memref<12800xi32, #tpu.memory_space<hbm>>
    tpu.enqueue_dma source(%dma_start3A_172 : memref<12800xi32, #tpu.memory_space<hbm>>) target(%arg6 : memref<12800xi32, #tpu.memory_space<vmem>>) target_semaphore(%dma_start3A_171 : memref<!tpu.dma_semaphore, #tpu.memory_space<semaphore_mem>>)
    %add3A_173 = arith.constant 64000 : i32
    %add3A_174 = arith.addi %mul3A_2, %add3A_173 : i32
    %dma_wait3A_175 = arith.constant 1 : i32
    %dma_wait3A_176 = tpu.memref_slice %arg3[%add3A_174] : memref<3276800xi32, #tpu.memory_space<hbm>> -> memref<12800xi32, #tpu.memory_space<hbm>>
    %dma_wait3A_177 = tpu.memref_slice %arg9[%dma_wait3A_175] : memref<2x!tpu.dma_semaphore, #tpu.memory_space<semaphore_mem>> -> memref<1x!tpu.dma_semaphore, #tpu.memory_space<semaphore_mem>>
    %dma_wait3A_178 = tpu.memref_squeeze %dma_wait3A_177 : memref<1x!tpu.dma_semaphore, #tpu.memory_space<semaphore_mem>> -> memref<!tpu.dma_semaphore, #tpu.memory_space<semaphore_mem>>
    %dma_wait3A_179 = tpu.memref_slice %arg3[%add3A_174] : memref<3276800xi32, #tpu.memory_space<hbm>> -> memref<12800xi32, #tpu.memory_space<hbm>>
    tpu.wait_dma2 semaphore(%dma_wait3A_178 : memref<!tpu.dma_semaphore, #tpu.memory_space<semaphore_mem>>) src(%dma_wait3A_179 : memref<12800xi32, #tpu.memory_space<hbm>>) dst(%arg6 : memref<12800xi32, #tpu.memory_space<vmem>>)
    %add3A_180 = arith.constant 38400 : i32
    %add3A_181 = arith.addi %mul3A_2, %add3A_180 : i32
    %dma_wait3A_182 = arith.constant 1 : i32
    %dma_wait3A_183 = tpu.memref_slice %arg4[%add3A_181] : memref<3276800xf32, #tpu.memory_space<hbm>> -> memref<12800xf32, #tpu.memory_space<hbm>>
    %dma_wait3A_184 = tpu.memref_slice %arg11[%dma_wait3A_182] : memref<2x!tpu.dma_semaphore, #tpu.memory_space<semaphore_mem>> -> memref<1x!tpu.dma_semaphore, #tpu.memory_space<semaphore_mem>>
    %dma_wait3A_185 = tpu.memref_squeeze %dma_wait3A_184 : memref<1x!tpu.dma_semaphore, #tpu.memory_space<semaphore_mem>> -> memref<!tpu.dma_semaphore, #tpu.memory_space<semaphore_mem>>
    %dma_wait3A_186 = tpu.memref_slice %arg4[%add3A_181] : memref<3276800xf32, #tpu.memory_space<hbm>> -> memref<12800xf32, #tpu.memory_space<hbm>>
    tpu.wait_dma2 semaphore(%dma_wait3A_185 : memref<!tpu.dma_semaphore, #tpu.memory_space<semaphore_mem>>) src(%arg8 : memref<12800xf32, #tpu.memory_space<vmem>>) dst(%dma_wait3A_186 : memref<12800xf32, #tpu.memory_space<hbm>>)
    %dma_start3A_187 = arith.constant 1 : i32
    %dma_start3A_188 = arith.constant 0 : i32
    %dma_start3A_189 = tpu.memref_slice %arg12[%dma_start3A_188] : memref<1000000xf32, #tpu.memory_space<vmem_shared>> -> memref<1000000xf32, #tpu.memory_space<vmem_shared>>
    %dma_start3A_190 = tpu.memref_slice %arg10[%dma_start3A_187] : memref<2x!tpu.dma_semaphore, #tpu.memory_space<semaphore_mem>> -> memref<1x!tpu.dma_semaphore, #tpu.memory_space<semaphore_mem>>
    %dma_start3A_191 = tpu.memref_squeeze %dma_start3A_190 : memref<1x!tpu.dma_semaphore, #tpu.memory_space<semaphore_mem>> -> memref<!tpu.dma_semaphore, #tpu.memory_space<semaphore_mem>>
    tpu.enqueue_indirect_dma source(%dma_start3A_189 : memref<1000000xf32, #tpu.memory_space<vmem_shared>>) target(%arg8 : memref<12800xf32, #tpu.memory_space<vmem>>) offsets(%arg6 : memref<12800xi32, #tpu.memory_space<vmem>>) semaphore(%dma_start3A_191 : memref<!tpu.dma_semaphore, #tpu.memory_space<semaphore_mem>>)
    %dma_wait3A_192 = arith.constant 0 : i32
    %dma_wait3A_193 = arith.constant 0 : i32
    %dma_wait3A_194 = tpu.memref_slice %arg12[%dma_wait3A_193] : memref<1000000xf32, #tpu.memory_space<vmem_shared>> -> memref<1000000xf32, #tpu.memory_space<vmem_shared>>
    %dma_wait3A_195 = tpu.memref_slice %arg10[%dma_wait3A_192] : memref<2x!tpu.dma_semaphore, #tpu.memory_space<semaphore_mem>> -> memref<1x!tpu.dma_semaphore, #tpu.memory_space<semaphore_mem>>
    %dma_wait3A_196 = tpu.memref_squeeze %dma_wait3A_195 : memref<1x!tpu.dma_semaphore, #tpu.memory_space<semaphore_mem>> -> memref<!tpu.dma_semaphore, #tpu.memory_space<semaphore_mem>>
    tpu.wait_indirect_dma semaphore(%dma_wait3A_196 : memref<!tpu.dma_semaphore, #tpu.memory_space<semaphore_mem>>) src(%dma_wait3A_194 : memref<1000000xf32, #tpu.memory_space<vmem_shared>>) dst(%arg7 : memref<12800xf32, #tpu.memory_space<vmem>>)
    %add3A_197 = arith.constant 51200 : i32
    %add3A_198 = arith.addi %mul3A_2, %add3A_197 : i32
    %dma_start3A_199 = arith.constant 0 : i32
    %dma_start3A_200 = tpu.memref_slice %arg4[%add3A_198] : memref<3276800xf32, #tpu.memory_space<hbm>> -> memref<12800xf32, #tpu.memory_space<hbm>>
    %dma_start3A_201 = tpu.memref_slice %arg11[%dma_start3A_199] : memref<2x!tpu.dma_semaphore, #tpu.memory_space<semaphore_mem>> -> memref<1x!tpu.dma_semaphore, #tpu.memory_space<semaphore_mem>>
    %dma_start3A_202 = tpu.memref_squeeze %dma_start3A_201 : memref<1x!tpu.dma_semaphore, #tpu.memory_space<semaphore_mem>> -> memref<!tpu.dma_semaphore, #tpu.memory_space<semaphore_mem>>
    %dma_start3A_203 = tpu.memref_slice %arg4[%add3A_198] : memref<3276800xf32, #tpu.memory_space<hbm>> -> memref<12800xf32, #tpu.memory_space<hbm>>
    tpu.enqueue_dma source(%arg7 : memref<12800xf32, #tpu.memory_space<vmem>>) target(%dma_start3A_203 : memref<12800xf32, #tpu.memory_space<hbm>>) target_semaphore(%dma_start3A_202 : memref<!tpu.dma_semaphore, #tpu.memory_space<semaphore_mem>>)
    %add3A_204 = arith.constant 76800 : i32
    %add3A_205 = arith.addi %mul3A_2, %add3A_204 : i32
    %dma_start3A_206 = arith.constant 0 : i32
    %dma_start3A_207 = tpu.memref_slice %arg3[%add3A_205] : memref<3276800xi32, #tpu.memory_space<hbm>> -> memref<12800xi32, #tpu.memory_space<hbm>>
    %dma_start3A_208 = tpu.memref_slice %arg9[%dma_start3A_206] : memref<2x!tpu.dma_semaphore, #tpu.memory_space<semaphore_mem>> -> memref<1x!tpu.dma_semaphore, #tpu.memory_space<semaphore_mem>>
    %dma_start3A_209 = tpu.memref_squeeze %dma_start3A_208 : memref<1x!tpu.dma_semaphore, #tpu.memory_space<semaphore_mem>> -> memref<!tpu.dma_semaphore, #tpu.memory_space<semaphore_mem>>
    %dma_start3A_210 = tpu.memref_slice %arg3[%add3A_205] : memref<3276800xi32, #tpu.memory_space<hbm>> -> memref<12800xi32, #tpu.memory_space<hbm>>
    tpu.enqueue_dma source(%dma_start3A_210 : memref<12800xi32, #tpu.memory_space<hbm>>) target(%arg5 : memref<12800xi32, #tpu.memory_space<vmem>>) target_semaphore(%dma_start3A_209 : memref<!tpu.dma_semaphore, #tpu.memory_space<semaphore_mem>>)
    %add3A_211 = arith.constant 76800 : i32
    %add3A_212 = arith.addi %mul3A_2, %add3A_211 : i32
    %dma_wait3A_213 = arith.constant 0 : i32
    %dma_wait3A_214 = tpu.memref_slice %arg3[%add3A_212] : memref<3276800xi32, #tpu.memory_space<hbm>> -> memref<12800xi32, #tpu.memory_space<hbm>>
    %dma_wait3A_215 = tpu.memref_slice %arg9[%dma_wait3A_213] : memref<2x!tpu.dma_semaphore, #tpu.memory_space<semaphore_mem>> -> memref<1x!tpu.dma_semaphore, #tpu.memory_space<semaphore_mem>>
    %dma_wait3A_216 = tpu.memref_squeeze %dma_wait3A_215 : memref<1x!tpu.dma_semaphore, #tpu.memory_space<semaphore_mem>> -> memref<!tpu.dma_semaphore, #tpu.memory_space<semaphore_mem>>
    %dma_wait3A_217 = tpu.memref_slice %arg3[%add3A_212] : memref<3276800xi32, #tpu.memory_space<hbm>> -> memref<12800xi32, #tpu.memory_space<hbm>>
    tpu.wait_dma2 semaphore(%dma_wait3A_216 : memref<!tpu.dma_semaphore, #tpu.memory_space<semaphore_mem>>) src(%dma_wait3A_217 : memref<12800xi32, #tpu.memory_space<hbm>>) dst(%arg5 : memref<12800xi32, #tpu.memory_space<vmem>>)
    %add3A_218 = arith.constant 51200 : i32
    %add3A_219 = arith.addi %mul3A_2, %add3A_218 : i32
    %dma_wait3A_220 = arith.constant 0 : i32
    %dma_wait3A_221 = tpu.memref_slice %arg4[%add3A_219] : memref<3276800xf32, #tpu.memory_space<hbm>> -> memref<12800xf32, #tpu.memory_space<hbm>>
    %dma_wait3A_222 = tpu.memref_slice %arg11[%dma_wait3A_220] : memref<2x!tpu.dma_semaphore, #tpu.memory_space<semaphore_mem>> -> memref<1x!tpu.dma_semaphore, #tpu.memory_space<semaphore_mem>>
    %dma_wait3A_223 = tpu.memref_squeeze %dma_wait3A_222 : memref<1x!tpu.dma_semaphore, #tpu.memory_space<semaphore_mem>> -> memref<!tpu.dma_semaphore, #tpu.memory_space<semaphore_mem>>
    %dma_wait3A_224 = tpu.memref_slice %arg4[%add3A_219] : memref<3276800xf32, #tpu.memory_space<hbm>> -> memref<12800xf32, #tpu.memory_space<hbm>>
    tpu.wait_dma2 semaphore(%dma_wait3A_223 : memref<!tpu.dma_semaphore, #tpu.memory_space<semaphore_mem>>) src(%arg7 : memref<12800xf32, #tpu.memory_space<vmem>>) dst(%dma_wait3A_224 : memref<12800xf32, #tpu.memory_space<hbm>>)
    %dma_start3A_225 = arith.constant 0 : i32
    %dma_start3A_226 = arith.constant 0 : i32
    %dma_start3A_227 = tpu.memref_slice %arg12[%dma_start3A_226] : memref<1000000xf32, #tpu.memory_space<vmem_shared>> -> memref<1000000xf32, #tpu.memory_space<vmem_shared>>
    %dma_start3A_228 = tpu.memref_slice %arg10[%dma_start3A_225] : memref<2x!tpu.dma_semaphore, #tpu.memory_space<semaphore_mem>> -> memref<1x!tpu.dma_semaphore, #tpu.memory_space<semaphore_mem>>
    %dma_start3A_229 = tpu.memref_squeeze %dma_start3A_228 : memref<1x!tpu.dma_semaphore, #tpu.memory_space<semaphore_mem>> -> memref<!tpu.dma_semaphore, #tpu.memory_space<semaphore_mem>>
    tpu.enqueue_indirect_dma source(%dma_start3A_227 : memref<1000000xf32, #tpu.memory_space<vmem_shared>>) target(%arg7 : memref<12800xf32, #tpu.memory_space<vmem>>) offsets(%arg5 : memref<12800xi32, #tpu.memory_space<vmem>>) semaphore(%dma_start3A_229 : memref<!tpu.dma_semaphore, #tpu.memory_space<semaphore_mem>>)
    %dma_wait3A_230 = arith.constant 1 : i32
    %dma_wait3A_231 = arith.constant 0 : i32
    %dma_wait3A_232 = tpu.memref_slice %arg12[%dma_wait3A_231] : memref<1000000xf32, #tpu.memory_space<vmem_shared>> -> memref<1000000xf32, #tpu.memory_space<vmem_shared>>
    %dma_wait3A_233 = tpu.memref_slice %arg10[%dma_wait3A_230] : memref<2x!tpu.dma_semaphore, #tpu.memory_space<semaphore_mem>> -> memref<1x!tpu.dma_semaphore, #tpu.memory_space<semaphore_mem>>
    %dma_wait3A_234 = tpu.memref_squeeze %dma_wait3A_233 : memref<1x!tpu.dma_semaphore, #tpu.memory_space<semaphore_mem>> -> memref<!tpu.dma_semaphore, #tpu.memory_space<semaphore_mem>>
    tpu.wait_indirect_dma semaphore(%dma_wait3A_234 : memref<!tpu.dma_semaphore, #tpu.memory_space<semaphore_mem>>) src(%dma_wait3A_232 : memref<1000000xf32, #tpu.memory_space<vmem_shared>>) dst(%arg8 : memref<12800xf32, #tpu.memory_space<vmem>>)
    %add3A_235 = arith.constant 64000 : i32
    %add3A_236 = arith.addi %mul3A_2, %add3A_235 : i32
    %dma_start3A_237 = arith.constant 1 : i32
    %dma_start3A_238 = tpu.memref_slice %arg4[%add3A_236] : memref<3276800xf32, #tpu.memory_space<hbm>> -> memref<12800xf32, #tpu.memory_space<hbm>>
    %dma_start3A_239 = tpu.memref_slice %arg11[%dma_start3A_237] : memref<2x!tpu.dma_semaphore, #tpu.memory_space<semaphore_mem>> -> memref<1x!tpu.dma_semaphore, #tpu.memory_space<semaphore_mem>>
    %dma_start3A_240 = tpu.memref_squeeze %dma_start3A_239 : memref<1x!tpu.dma_semaphore, #tpu.memory_space<semaphore_mem>> -> memref<!tpu.dma_semaphore, #tpu.memory_space<semaphore_mem>>
    %dma_start3A_241 = tpu.memref_slice %arg4[%add3A_236] : memref<3276800xf32, #tpu.memory_space<hbm>> -> memref<12800xf32, #tpu.memory_space<hbm>>
    tpu.enqueue_dma source(%arg8 : memref<12800xf32, #tpu.memory_space<vmem>>) target(%dma_start3A_241 : memref<12800xf32, #tpu.memory_space<hbm>>) target_semaphore(%dma_start3A_240 : memref<!tpu.dma_semaphore, #tpu.memory_space<semaphore_mem>>)
    %add3A_242 = arith.constant 89600 : i32
    %add3A_243 = arith.addi %mul3A_2, %add3A_242 : i32
    %dma_start3A_244 = arith.constant 1 : i32
    %dma_start3A_245 = tpu.memref_slice %arg3[%add3A_243] : memref<3276800xi32, #tpu.memory_space<hbm>> -> memref<12800xi32, #tpu.memory_space<hbm>>
    %dma_start3A_246 = tpu.memref_slice %arg9[%dma_start3A_244] : memref<2x!tpu.dma_semaphore, #tpu.memory_space<semaphore_mem>> -> memref<1x!tpu.dma_semaphore, #tpu.memory_space<semaphore_mem>>
    %dma_start3A_247 = tpu.memref_squeeze %dma_start3A_246 : memref<1x!tpu.dma_semaphore, #tpu.memory_space<semaphore_mem>> -> memref<!tpu.dma_semaphore, #tpu.memory_space<semaphore_mem>>
    %dma_start3A_248 = tpu.memref_slice %arg3[%add3A_243] : memref<3276800xi32, #tpu.memory_space<hbm>> -> memref<12800xi32, #tpu.memory_space<hbm>>
    tpu.enqueue_dma source(%dma_start3A_248 : memref<12800xi32, #tpu.memory_space<hbm>>) target(%arg6 : memref<12800xi32, #tpu.memory_space<vmem>>) target_semaphore(%dma_start3A_247 : memref<!tpu.dma_semaphore, #tpu.memory_space<semaphore_mem>>)
    %add3A_249 = arith.constant 89600 : i32
    %add3A_250 = arith.addi %mul3A_2, %add3A_249 : i32
    %dma_wait3A_251 = arith.constant 1 : i32
    %dma_wait3A_252 = tpu.memref_slice %arg3[%add3A_250] : memref<3276800xi32, #tpu.memory_space<hbm>> -> memref<12800xi32, #tpu.memory_space<hbm>>
    %dma_wait3A_253 = tpu.memref_slice %arg9[%dma_wait3A_251] : memref<2x!tpu.dma_semaphore, #tpu.memory_space<semaphore_mem>> -> memref<1x!tpu.dma_semaphore, #tpu.memory_space<semaphore_mem>>
    %dma_wait3A_254 = tpu.memref_squeeze %dma_wait3A_253 : memref<1x!tpu.dma_semaphore, #tpu.memory_space<semaphore_mem>> -> memref<!tpu.dma_semaphore, #tpu.memory_space<semaphore_mem>>
    %dma_wait3A_255 = tpu.memref_slice %arg3[%add3A_250] : memref<3276800xi32, #tpu.memory_space<hbm>> -> memref<12800xi32, #tpu.memory_space<hbm>>
    tpu.wait_dma2 semaphore(%dma_wait3A_254 : memref<!tpu.dma_semaphore, #tpu.memory_space<semaphore_mem>>) src(%dma_wait3A_255 : memref<12800xi32, #tpu.memory_space<hbm>>) dst(%arg6 : memref<12800xi32, #tpu.memory_space<vmem>>)
    %add3A_256 = arith.constant 64000 : i32
    %add3A_257 = arith.addi %mul3A_2, %add3A_256 : i32
    %dma_wait3A_258 = arith.constant 1 : i32
    %dma_wait3A_259 = tpu.memref_slice %arg4[%add3A_257] : memref<3276800xf32, #tpu.memory_space<hbm>> -> memref<12800xf32, #tpu.memory_space<hbm>>
    %dma_wait3A_260 = tpu.memref_slice %arg11[%dma_wait3A_258] : memref<2x!tpu.dma_semaphore, #tpu.memory_space<semaphore_mem>> -> memref<1x!tpu.dma_semaphore, #tpu.memory_space<semaphore_mem>>
    %dma_wait3A_261 = tpu.memref_squeeze %dma_wait3A_260 : memref<1x!tpu.dma_semaphore, #tpu.memory_space<semaphore_mem>> -> memref<!tpu.dma_semaphore, #tpu.memory_space<semaphore_mem>>
    %dma_wait3A_262 = tpu.memref_slice %arg4[%add3A_257] : memref<3276800xf32, #tpu.memory_space<hbm>> -> memref<12800xf32, #tpu.memory_space<hbm>>
    tpu.wait_dma2 semaphore(%dma_wait3A_261 : memref<!tpu.dma_semaphore, #tpu.memory_space<semaphore_mem>>) src(%arg8 : memref<12800xf32, #tpu.memory_space<vmem>>) dst(%dma_wait3A_262 : memref<12800xf32, #tpu.memory_space<hbm>>)
    %dma_start3A_263 = arith.constant 1 : i32
    %dma_start3A_264 = arith.constant 0 : i32
    %dma_start3A_265 = tpu.memref_slice %arg12[%dma_start3A_264] : memref<1000000xf32, #tpu.memory_space<vmem_shared>> -> memref<1000000xf32, #tpu.memory_space<vmem_shared>>
    %dma_start3A_266 = tpu.memref_slice %arg10[%dma_start3A_263] : memref<2x!tpu.dma_semaphore, #tpu.memory_space<semaphore_mem>> -> memref<1x!tpu.dma_semaphore, #tpu.memory_space<semaphore_mem>>
    %dma_start3A_267 = tpu.memref_squeeze %dma_start3A_266 : memref<1x!tpu.dma_semaphore, #tpu.memory_space<semaphore_mem>> -> memref<!tpu.dma_semaphore, #tpu.memory_space<semaphore_mem>>
    tpu.enqueue_indirect_dma source(%dma_start3A_265 : memref<1000000xf32, #tpu.memory_space<vmem_shared>>) target(%arg8 : memref<12800xf32, #tpu.memory_space<vmem>>) offsets(%arg6 : memref<12800xi32, #tpu.memory_space<vmem>>) semaphore(%dma_start3A_267 : memref<!tpu.dma_semaphore, #tpu.memory_space<semaphore_mem>>)
    %dma_wait3A_268 = arith.constant 0 : i32
    %dma_wait3A_269 = arith.constant 0 : i32
    %dma_wait3A_270 = tpu.memref_slice %arg12[%dma_wait3A_269] : memref<1000000xf32, #tpu.memory_space<vmem_shared>> -> memref<1000000xf32, #tpu.memory_space<vmem_shared>>
    %dma_wait3A_271 = tpu.memref_slice %arg10[%dma_wait3A_268] : memref<2x!tpu.dma_semaphore, #tpu.memory_space<semaphore_mem>> -> memref<1x!tpu.dma_semaphore, #tpu.memory_space<semaphore_mem>>
    %dma_wait3A_272 = tpu.memref_squeeze %dma_wait3A_271 : memref<1x!tpu.dma_semaphore, #tpu.memory_space<semaphore_mem>> -> memref<!tpu.dma_semaphore, #tpu.memory_space<semaphore_mem>>
    tpu.wait_indirect_dma semaphore(%dma_wait3A_272 : memref<!tpu.dma_semaphore, #tpu.memory_space<semaphore_mem>>) src(%dma_wait3A_270 : memref<1000000xf32, #tpu.memory_space<vmem_shared>>) dst(%arg7 : memref<12800xf32, #tpu.memory_space<vmem>>)
    %add3A_273 = arith.constant 76800 : i32
    %add3A_274 = arith.addi %mul3A_2, %add3A_273 : i32
    %dma_start3A_275 = arith.constant 0 : i32
    %dma_start3A_276 = tpu.memref_slice %arg4[%add3A_274] : memref<3276800xf32, #tpu.memory_space<hbm>> -> memref<12800xf32, #tpu.memory_space<hbm>>
    %dma_start3A_277 = tpu.memref_slice %arg11[%dma_start3A_275] : memref<2x!tpu.dma_semaphore, #tpu.memory_space<semaphore_mem>> -> memref<1x!tpu.dma_semaphore, #tpu.memory_space<semaphore_mem>>
    %dma_start3A_278 = tpu.memref_squeeze %dma_start3A_277 : memref<1x!tpu.dma_semaphore, #tpu.memory_space<semaphore_mem>> -> memref<!tpu.dma_semaphore, #tpu.memory_space<semaphore_mem>>
    %dma_start3A_279 = tpu.memref_slice %arg4[%add3A_274] : memref<3276800xf32, #tpu.memory_space<hbm>> -> memref<12800xf32, #tpu.memory_space<hbm>>
    tpu.enqueue_dma source(%arg7 : memref<12800xf32, #tpu.memory_space<vmem>>) target(%dma_start3A_279 : memref<12800xf32, #tpu.memory_space<hbm>>) target_semaphore(%dma_start3A_278 : memref<!tpu.dma_semaphore, #tpu.memory_space<semaphore_mem>>)
    %dma_wait3A_280 = arith.constant 1 : i32
    %dma_wait3A_281 = arith.constant 0 : i32
    %dma_wait3A_282 = tpu.memref_slice %arg12[%dma_wait3A_281] : memref<1000000xf32, #tpu.memory_space<vmem_shared>> -> memref<1000000xf32, #tpu.memory_space<vmem_shared>>
    %dma_wait3A_283 = tpu.memref_slice %arg10[%dma_wait3A_280] : memref<2x!tpu.dma_semaphore, #tpu.memory_space<semaphore_mem>> -> memref<1x!tpu.dma_semaphore, #tpu.memory_space<semaphore_mem>>
    %dma_wait3A_284 = tpu.memref_squeeze %dma_wait3A_283 : memref<1x!tpu.dma_semaphore, #tpu.memory_space<semaphore_mem>> -> memref<!tpu.dma_semaphore, #tpu.memory_space<semaphore_mem>>
    tpu.wait_indirect_dma semaphore(%dma_wait3A_284 : memref<!tpu.dma_semaphore, #tpu.memory_space<semaphore_mem>>) src(%dma_wait3A_282 : memref<1000000xf32, #tpu.memory_space<vmem_shared>>) dst(%arg8 : memref<12800xf32, #tpu.memory_space<vmem>>)
    %add3A_285 = arith.constant 89600 : i32
    %add3A_286 = arith.addi %mul3A_2, %add3A_285 : i32
    %dma_start3A_287 = arith.constant 1 : i32
    %dma_start3A_288 = tpu.memref_slice %arg4[%add3A_286] : memref<3276800xf32, #tpu.memory_space<hbm>> -> memref<12800xf32, #tpu.memory_space<hbm>>
    %dma_start3A_289 = tpu.memref_slice %arg11[%dma_start3A_287] : memref<2x!tpu.dma_semaphore, #tpu.memory_space<semaphore_mem>> -> memref<1x!tpu.dma_semaphore, #tpu.memory_space<semaphore_mem>>
    %dma_start3A_290 = tpu.memref_squeeze %dma_start3A_289 : memref<1x!tpu.dma_semaphore, #tpu.memory_space<semaphore_mem>> -> memref<!tpu.dma_semaphore, #tpu.memory_space<semaphore_mem>>
    %dma_start3A_291 = tpu.memref_slice %arg4[%add3A_286] : memref<3276800xf32, #tpu.memory_space<hbm>> -> memref<12800xf32, #tpu.memory_space<hbm>>
    tpu.enqueue_dma source(%arg8 : memref<12800xf32, #tpu.memory_space<vmem>>) target(%dma_start3A_291 : memref<12800xf32, #tpu.memory_space<hbm>>) target_semaphore(%dma_start3A_290 : memref<!tpu.dma_semaphore, #tpu.memory_space<semaphore_mem>>)
    %add3A_292 = arith.constant 76800 : i32
    %add3A_293 = arith.addi %mul3A_2, %add3A_292 : i32
    %dma_wait3A_294 = arith.constant 0 : i32
    %dma_wait3A_295 = tpu.memref_slice %arg4[%add3A_293] : memref<3276800xf32, #tpu.memory_space<hbm>> -> memref<12800xf32, #tpu.memory_space<hbm>>
    %dma_wait3A_296 = tpu.memref_slice %arg11[%dma_wait3A_294] : memref<2x!tpu.dma_semaphore, #tpu.memory_space<semaphore_mem>> -> memref<1x!tpu.dma_semaphore, #tpu.memory_space<semaphore_mem>>
    %dma_wait3A_297 = tpu.memref_squeeze %dma_wait3A_296 : memref<1x!tpu.dma_semaphore, #tpu.memory_space<semaphore_mem>> -> memref<!tpu.dma_semaphore, #tpu.memory_space<semaphore_mem>>
    %dma_wait3A_298 = tpu.memref_slice %arg4[%add3A_293] : memref<3276800xf32, #tpu.memory_space<hbm>> -> memref<12800xf32, #tpu.memory_space<hbm>>
    tpu.wait_dma2 semaphore(%dma_wait3A_297 : memref<!tpu.dma_semaphore, #tpu.memory_space<semaphore_mem>>) src(%arg7 : memref<12800xf32, #tpu.memory_space<vmem>>) dst(%dma_wait3A_298 : memref<12800xf32, #tpu.memory_space<hbm>>)
    %add3A_299 = arith.constant 89600 : i32
    %add3A_300 = arith.addi %mul3A_2, %add3A_299 : i32
    %dma_wait3A_301 = arith.constant 1 : i32
    %dma_wait3A_302 = tpu.memref_slice %arg4[%add3A_300] : memref<3276800xf32, #tpu.memory_space<hbm>> -> memref<12800xf32, #tpu.memory_space<hbm>>
    %dma_wait3A_303 = tpu.memref_slice %arg11[%dma_wait3A_301] : memref<2x!tpu.dma_semaphore, #tpu.memory_space<semaphore_mem>> -> memref<1x!tpu.dma_semaphore, #tpu.memory_space<semaphore_mem>>
    %dma_wait3A_304 = tpu.memref_squeeze %dma_wait3A_303 : memref<1x!tpu.dma_semaphore, #tpu.memory_space<semaphore_mem>> -> memref<!tpu.dma_semaphore, #tpu.memory_space<semaphore_mem>>
    %dma_wait3A_305 = tpu.memref_slice %arg4[%add3A_300] : memref<3276800xf32, #tpu.memory_space<hbm>> -> memref<12800xf32, #tpu.memory_space<hbm>>
    tpu.wait_dma2 semaphore(%dma_wait3A_304 : memref<!tpu.dma_semaphore, #tpu.memory_space<semaphore_mem>>) src(%arg8 : memref<12800xf32, #tpu.memory_space<vmem>>) dst(%dma_wait3A_305 : memref<12800xf32, #tpu.memory_space<hbm>>)
    return
  }
}

</mosaic_0001>

<sc_bundles>
// kernel: kernel.3.cloned.1.call-start
scs
__scs_entry_jumppad:
0x0: {  	(pc) =	sbr.rel $0x88, $3  }
0x1: {  	(tag) =	ssettag $0x0;
	lr =	simm.s32 $0x1  }
0x2: {  	[smem:$0x3F9F] =	sst lr;
	_ =	strace $0xD0000000  }
0x3: {  	_ = 	snop  }
0x4: {  	_ = 	snop  }
0x5: {  	_ = 	snop  }
0x6: {  	_ = 	snop  }
0x7: {  	_ = 	snop  }
__scs_overlays_trampoline_lowered:
0x8: {  	[smem:$0x3FAE] =	sst s0  }
0x9: {  	[smem:$0x3FAF] =	sst s1  }
0xa: {  	[smem:$0x3FB0] =	sst s2  }
0xb: {  	[smem:$0x3FB1] =	sst s3  }
0xc: {  	[smem:$0x3FB2] =	sst s4  }
0xd: {  	[smem:$0x3FB3] =	sst s5  }
0xe: {  	[smem:$0x3FB4] =	sst s6  }
0xf: {  	[smem:$0x3FB5] =	sst s7  }
0x10: {  	[smem:$0x3FB6] =	sst s8  }
0x11: {  	[smem:$0x3FB7] =	sst s9;
	s0 =	simm.s32 @!p0 $0x0  }
0x12: {  	s1 =	sld [smem:$0x3F9D];
	s0 =	simm.s32 @p0 $0x1  }
0x13: {  	[smem:$0x3FB8] =	sst s0;
	s0 =	simm.s32 @!p1 $0x0  }
0x14: {  	s2 =	sld [smem:$0x3F9C];
	s0 =	simm.s32 @p1 $0x1  }
0x15: {  	[smem:$0x3FB9] =	sst s0;
	s0 =	simm.s32 @!p2 $0x0  }
0x16: {  	s3 =	sld [smem:$0x3FDB];
	s0 =	simm.s32 @p2 $0x1  }
0x17: {  	s4 =	simm.s32 $0x1BF5;
	[smem:$0x3FBB] =	sst s0  }
0x18: {  	s0 =	sld [smem:$0x3F9E];
	_ =	swait.ge [sflag:s4], $0x0  }
0x19: {  	s7 =	sld [smem:$0x3F9F]  }
0x1a: {  	s8 =	sadd.s32 $0xFFFFE003, lr  }
0x1b: {  	s9 =	sadd.s32 $0xFFFFFEF7, lr;
	s5 =	simm.s32 $0xFFFFFFFF;
	p2 =	slt.u32 s8, $0xFFFFF086  }
0x1c: {  	p1 =	slt.u32 s9, $0xF7A;
	s5 =	simm.s32 @!p2 $0x0  }
0x1d: {  	s5 =	simm.s32 @p1 $0x1;
	p0 =	seq.s32 s7, s2  }
0x1e: {  	s7 =	smul.u32 @!p0 $0xF7A, s2;
	p2 =	seq.s32 @!p0 s5, $0x0  }
0x1f: {  	s9 =	smul.u32 $0xF7A, s1;
	s8 =	simm.s32 @!p0 $0x1BF5;
	p2 =	por !p2, p0  }
0x20: {  	[sflag:s8] =	ssyncset.s32 @!p0 $0xFFFFF086;
	s6 =	sadd.s32 @!p0 s3, s7;
	s7 =	simm.s32 @!p0 $0x108  }
0x21: {  	s3 =	sadd.s32 s3, s9;
	s6 =	sadd.s32 @!p0 $0x88, s6;
	s7 =	simm.s32 @p2 $0x1082  }
0x22: {  	[simem:s7], [sflag:s8] =	dma.local @!p0 [hbm:s6], $0xF7A  }
0x23: {  	s9 =	sor.u32 $0xD0000000, s2;
	s6 =	simm.s32 $0x108;
	_ =	swait.ge @!p0 [sflag:s8], $0x0  }
0x24: {  	s3 =	sadd.s32 $0x88, s3;
	s6 =	simm.s32 @!p1 $0x1082;
	[sflag:s4] =	ssyncset.s32 $0xFFFFF086  }
0x25: {  	[simem:s6], [sflag:s4] =	dma.local [hbm:s3], $0xF7A  }
0x26: {  	[smem:$0x3F9F] =	sst s1;
	(tag) =	ssettag s2;
	_ =	strace s9  }
0x27: {  	s1 =	sld [smem:$0x3FAF]  }
0x28: {  	s2 =	sld [smem:$0x3FB0]  }
0x29: {  	s4 =	sld [smem:$0x3FB2]  }
0x2a: {  	p0 =	seq.s32 s5, $0x0;
	s5 =	sld [smem:$0x3FB3]  }
0x2b: {  	s6 =	sld [smem:$0x3FB4]  }
0x2c: {  	s7 =	sld [smem:$0x3FB5]  }
0x2d: {  	s3 =	simm.s32 $0x108;
	s8 =	sld [smem:$0x3FB6]  }
0x2e: {  	s3 =	simm.s32 @!p0 $0x1082;
	s9 =	sld [smem:$0x3FB7]  }
0x2f: {  	lr =	sadd.s32 s0, s3;
	s0 =	sld [smem:$0x3FAE]  }
0x30: {  	s3 =	sld [smem:$0x3FB1]  }
0x31: {  	[smem:$0x3FBA] =	sst s10  }
0x32: {  	s10 =	sld [smem:$0x3FB8];
	_ =	sdelay $0x3  }
0x33: {  	p0 =	seq.s32 s10, $0x1;
	s10 =	sld [smem:$0x3FBA];
	_ =	sdelay $0x3  }
0x34: {  	[smem:$0x3FBA] =	sst s10  }
0x35: {  	s10 =	sld [smem:$0x3FB9];
	_ =	sdelay $0x3  }
0x36: {  	p1 =	seq.s32 s10, $0x1;
	s10 =	sld [smem:$0x3FBA];
	_ =	sdelay $0x3  }
0x37: {  	[smem:$0x3FBA] =	sst s10  }
0x38: {  	s10 =	sld [smem:$0x3FBB]  }
0x39: {  	_ = 	snop;
	(pc) =	sbr.ind lr, $3  }
0x3a: {  	_ = 	snop  }
0x3b: {  	_ = 	snop  }
0x3c: {  	p2 =	seq.s32 s10, $0x1;
	s10 =	sld [smem:$0x3FBA]  }
0x3d: {  	_ =	shalt  }
0x3e: {  	_ =	shalt  }
0x3f: {  	_ =	shalt  }
0x40: {  	_ =	shalt  }
0x41: {  	_ =	shalt  }
0x42: {  	_ =	shalt  }
0x43: {  	_ =	shalt  }
0x44: {  	_ =	shalt  }
0x45: {  	_ =	shalt  }
0x46: {  	_ =	shalt  }
0x47: {  	_ =	shalt  }
0x48: {  	_ =	shalt  }
0x49: {  	_ =	shalt  }
0x4a: {  	_ =	shalt  }
0x4b: {  	_ =	shalt  }
0x4c: {  	_ =	shalt  }
0x4d: {  	_ =	shalt  }
0x4e: {  	_ =	shalt  }
0x4f: {  	_ =	shalt  }
0x50: {  	_ =	shalt  }
0x51: {  	_ =	shalt  }
0x52: {  	_ =	shalt  }
0x53: {  	_ =	shalt  }
0x54: {  	_ =	shalt  }
0x55: {  	_ =	shalt  }
0x56: {  	_ =	shalt  }
0x57: {  	_ =	shalt  }
0x58: {  	_ =	shalt  }
0x59: {  	_ =	shalt  }
0x5a: {  	_ =	shalt  }
0x5b: {  	_ =	shalt  }
0x5c: {  	_ =	shalt  }
0x5d: {  	_ =	shalt  }
0x5e: {  	_ =	shalt  }
0x5f: {  	_ =	shalt  }
0x60: {  	_ =	shalt  }
0x61: {  	_ =	shalt  }
0x62: {  	_ =	shalt  }
0x63: {  	_ =	shalt  }
0x64: {  	_ =	shalt  }
0x65: {  	_ =	shalt  }
0x66: {  	_ =	shalt  }
0x67: {  	_ =	shalt  }
0x68: {  	_ =	shalt  }
0x69: {  	_ =	shalt  }
0x6a: {  	_ =	shalt  }
0x6b: {  	_ =	shalt  }
0x6c: {  	_ =	shalt  }
0x6d: {  	_ =	shalt  }
0x6e: {  	_ =	shalt  }
0x6f: {  	_ =	shalt  }
0x70: {  	_ =	shalt  }
0x71: {  	_ =	shalt  }
0x72: {  	_ =	shalt  }
0x73: {  	_ =	shalt  }
0x74: {  	_ =	shalt  }
0x75: {  	_ =	shalt  }
0x76: {  	_ =	shalt  }
0x77: {  	_ =	shalt  }
0x78: {  	_ =	shalt  }
0x79: {  	_ =	shalt  }
0x7a: {  	_ =	shalt  }
0x7b: {  	_ =	shalt  }
0x7c: {  	_ =	shalt  }
0x7d: {  	_ =	shalt  }
0x7e: {  	_ =	shalt  }
0x7f: {  	_ =	shalt  }
0x80: {  	_ =	shalt  }
0x81: {  	_ =	shalt  }
0x82: {  	_ =	shalt  }
0x83: {  	_ =	shalt  }
0x84: {  	_ =	shalt  }
0x85: {  	_ =	shalt  }
0x86: {  	_ =	shalt  }
0x87: {  	_ =	shalt  }
.Lfunc_end0:
.L_simem_size_0:
called_computation_lowered:
.L_overlay_start_0:
0x88: {  	s2 =	sld [smem:$0x3FD9]  }
0x89: {  	s3 =	sld [smem:$0x3FFE];
	_ =	sdelay $0x1  }
0x8a: {  	s1 =	srdreg.scid  }
0x8b: {  	s0 =	sand.u32 $0x1, s1  }
0x8c: {  	s22 =	sshll.u32 s0, $0xA;
	s2 =	sadd.s32 s3, s2  }
0x8d: {  	s2 =	sadd.s32 s2, s22  }
0x8e: {  	[smem:$0x3FC6] =	sst s2  }
0x8f: {  	_ = 	snop  }
0x90: {  	s23 =	sld [smem:$0x3FC9]  }
0x91: {  	s4 =	sld [smem:$0x3FD0];
	(tm) =	ssettm $0x1  }
0x92: {  	s24 =	sld [smem:$0x3FFB];
	_ =	sdelay $0x3  }
0x93: {  	_ =	strace s24  }
0x94: {  	s2 =	sld [smem:$0x3FFC];
	_ =	sdelay $0x3  }
0x95: {  	_ =	strace s2  }
0x96: {  	s2 =	sld [smem:$0x3FFD];
	_ =	sdelay $0x3  }
0x97: {  	_ =	strace s2  }
0x98: {  	_ =	strace $0x8FFFFFFF  }
0x99: {  	s25 =	sld [smem:$0x3FDB];
	_ =	sdelay $0x1  }
0x9a: {  	s5 =	simm.s32 $_scs_section_size  }
0x9b: {  	s6 =	simm.s32 $_size__tile_overlayer_lowered;
	s7 =	simm.s32 $_tile_overlayer_lowered  }
0x9c: {  	s8 =	simm.s32 $0x1BFF;
	s26 =	sshll.u32 s7, $0x1;
	s5 =	sadd.s32 s5, s25  }
0x9d: {  	s6 =	sshll.u32 s6, $0x1;
	s2 =	simm.s32 $0x0;
	s7 =	sadd.s32 s26, s5  }
0x9e: {  	[timem:s2], [sflag:s8] =	dma.local [hbm:s7], s6  }
0x9f: {  	_ =	swait.ge [sflag:s8], s6  }
0xa0: {  	s6 =	ssub.s32 $0x0, s6;
	[sflag:s8] =	ssyncset.done $0x0  }
0xa1: {  	[sflag:s8] =	ssyncadd.s32 s6;
	_ =	sdelay $0x1  }
0xa2: {  	s28 =	simm.s32 $0x1B8B  }
0xa3: {  	_ =	swait.ge [sflag:s28], $0x1  }
0xa4: {  	[sflag:s28] =	ssyncset.done $0x0  }
0xa5: {  	s30 =	simm.s32 $0x1B8E;
	s29 =	sld [smem:$0x3FFE];
	[sflag:s28] =	ssyncadd.s32 $0xFFFFFFFF  }
0xa6: {  	s31 =	simm.s32 $execute0_lowered;
	[smem:$0x3FD2] =	sst s30  }
0xa7: {  	s7 =	sshll.u32 s31, $0x1;
	_ =	strace $0x80000046;
	[dreg:$0x1] =	wrdreg $0xFFFFFFFF  }
0xa8: {  	s5 =	sadd.s32 s5, s7;
	s8 =	simm.s32 $_size_execute0_lowered;
	[dreg:$0x0] =	wrdreg $0x0  }
0xa9: {  	s7 =	sshll.u32 s8, $0x1;
	[dreg:$0x2] =	wrdreg s5  }
0xaa: {  	[dreg:$0x3] =	wrdreg s7  }
0xab: {  	[dreg:$0x4] =	wrdreg $0xC0  }
0xac: {  	_ =	task [dreg:s2], $0x5FFFF  }
0xad: {  	[dreg:$0x1] =	wrdreg $0xFFFFFFFF  }
0xae: {  	[dreg:$0x0] =	wrdreg $0x60  }
0xaf: {  	[dreg:$0x2] =	wrdreg s4  }
0xb0: {  	[dreg:$0x3] =	wrdreg s29  }
0xb1: {  	[dreg:$0x4] =	wrdreg $0xC8000  }
0xb2: {  	[dreg:$0x5] =	wrdreg $0x9  }
0xb3: {  	s9 =	simm.s32 $0xA;
	s10 =	simm.s32 $0x19000;
	_ =	task.clear_ibuf [dreg:s2], $0x6FFFF  }
0xb4: {  	[spmem:s10], [sflag:s9] =	dma.local [hbm:s23], $0x1E850  }
0xb5: {  	_ =	swait.ge [sflag:s9], $0x1E850  }
0xb6: {  	[sflag:s9] =	ssyncset.done $0x0  }
0xb7: {  	[sflag:s9] =	ssyncadd.s32 $0xFFFE17B0  }
0xb8: {  	s11 =	sld [smem:$0x0];
	_ =	sdelay $0x2  }
0xb9: {  	s12 =	sshrl.u32 s1, $0x2  }
0xba: {  	s13 =	sand.u32 $0x3, s1;
	s3 =	sadd.s32 s12, s11  }
0xbb: {  	s5 =	sshll.u32 s13, $0xE;
	s3 =	sshll.u32 s3, $0x11  }
0xbc: {  	s3 =	sor.u32 s3, s5  }
0xbd: {  	s5 =	sor.u32 $0x11C07, s3  }
0xbe: {  	s14 =	sor.u32 $0x11C47, s3;
	[sflag:s5] =	ssyncadd.remote.s32 $0x1  }
0xbf: {  	s15 =	sor.u32 $0x11C87, s3;
	[sflag:s14] =	ssyncadd.remote.s32 $0x1  }
0xc0: {  	s16 =	sor.u32 $0x11CC7, s3;
	[sflag:s15] =	ssyncadd.remote.s32 $0x1  }
0xc1: {  	s17 =	sor.u32 $0x11D07, s3;
	[sflag:s16] =	ssyncadd.remote.s32 $0x1  }
0xc2: {  	s18 =	sor.u32 $0x11D47, s3;
	[sflag:s17] =	ssyncadd.remote.s32 $0x1  }
0xc3: {  	s19 =	sor.u32 $0x11D87, s3;
	[sflag:s18] =	ssyncadd.remote.s32 $0x1  }
0xc4: {  	s20 =	sor.u32 $0x11DC7, s3;
	[sflag:s19] =	ssyncadd.remote.s32 $0x1  }
0xc5: {  	s21 =	sor.u32 $0x11E07, s3;
	[sflag:s20] =	ssyncadd.remote.s32 $0x1  }
0xc6: {  	s22 =	sor.u32 $0x11E47, s3;
	[sflag:s21] =	ssyncadd.remote.s32 $0x1  }
0xc7: {  	s23 =	sor.u32 $0x11E87, s3;
	[sflag:s22] =	ssyncadd.remote.s32 $0x1  }
0xc8: {  	s24 =	sor.u32 $0x11EC7, s3;
	[sflag:s23] =	ssyncadd.remote.s32 $0x1  }
0xc9: {  	s25 =	sor.u32 $0x11F07, s3;
	[sflag:s24] =	ssyncadd.remote.s32 $0x1  }
0xca: {  	s26 =	sor.u32 $0x11F47, s3;
	[sflag:s25] =	ssyncadd.remote.s32 $0x1  }
0xcb: {  	s28 =	sor.u32 $0x11F87, s3;
	[sflag:s26] =	ssyncadd.remote.s32 $0x1  }
0xcc: {  	s3 =	sor.u32 $0x11FC7, s3;
	[sflag:s28] =	ssyncadd.remote.s32 $0x1  }
0xcd: {  	[sflag:s3] =	ssyncadd.remote.s32 $0x1  }
0xce: {  	_ =	strace $0x90000046  }
0xcf: {  	s29 =	simm.s32 $0x9;
	_ =	strace $0x80000048  }
0xd0: {  	_ =	swait.ge [sflag:s29], $0x1  }
0xd1: {  	[sflag:s29] =	ssyncadd.s32 $0xFFFFFFFF  }
0xd2: {  	_ =	strace $0x90000048  }
0xd3: {  	_ =	sfence  }
0xd4: {  	s30 =	sld [smem:$0x0];
	_ =	sdelay $0x2  }
0xd5: {  	s1 =	sshll.u32 s1, $0xD  }
0xd6: {  	s1 =	sand.u32 $0x4000, s1;
	s3 =	sadd.s32 s12, s30  }
0xd7: {  	s0 =	sor.u32 s1, s0;
	s31 =	sshll.u32 s3, $0x11  }
0xd8: {  	s0 =	sor.u32 s31, s0  }
0xd9: {  	s0 =	sadd.s32 $0x8F2B, s0  }
0xda: {  	[sflag:s0] =	ssyncadd.remote.s32 $0x1  }
0xdb: {  	_ =	sfence.sel $0xFFFF  }
0xdc: {  	[dreg:$0x0] =	wrdreg $0xFFFFFFFF;
	(pc) =	sbr.abs _section_cstart, $3  }
0xdd: {  	[dreg:$0x1] =	wrdreg $0xFFFFFFFF  }
0xde: {  	_ =	task.clear_ibuf [dreg:s2], $0x2FFFF;
	_ =	strace $0x9FFFFFFF  }
0xdf: {  	(tm) =	ssettm $0x7FFFFFFF  }
tec
execute0_lowered:
.L_overlay_start_1:
0x0: {  	(tag) =	ssettag $0x1  }
0x1: {  	s1 =	srdreg.scid;
	s0 =	stileid.u32  }
0x2: {  	s31 =	sand.u32 $0x1, s1;
	s26 =	sshll.u32 s0, $0x1  }
0x3: {  	s28 =	rddreg [dreg:$0x0];
	s1 =	sor.u32 s31, s26  }
0x4: {  	s13 =	rddreg [dreg:$0x1];
	s4 =	smul.u32 $0x19000, s1  }
0x5: {  	s2 =	rddreg [dreg:$0x2];
	s3 =	simm.s32 $0x0  }
0x6: {  	[smem:$0x7FF] =	sst s3;
	s29 =	sshrl.u32 s4, $0x3  }
0x7: {  	_ =	strace $0x80000047;
	s4 =	sadd.s32 s28, s29;
	s17 =	sadd.s32 $0x640, s29  }
0x8: {  	[tilespmem:s3], [sflag:$0x1] =	stream.linear.gather [hbm4b:s4+s3], $0x3200, $0x38;
	[tilespmem:$0x1BC28] =	vst v63  }
0x9: {  	s6 =	simm.s32 $0x3200;
	s7 =	simm.s32 $0x7;
	s5 =	sadd.s32 s28, s17  }
0xa: {  	[tilespmem:s6], [sflag:$0x2] =	stream.linear.gather [hbm4b:s5+s3], $0x3200, $0x38;
	[tilespmem:$0x1BC28] =	vst v63  }
0xb: {  	_ =	swait.ge [sflag:s7], $0x1  }
0xc: {  	[sflag:s7] =	ssyncset.done $0x0  }
0xd: {  	s8 =	simm.s32 $0x1;
	[sflag:s7] =	ssyncadd.s32 $0xFFFFFFFF  }
0xe: {  	_ =	swait.ge [sflag:s8], $0x3200  }
0xf: {  	[sflag:s8] =	ssyncset.done $0x0  }
0x10: {  	s9 =	simm.s32 $0x6400;
	s10 =	simm.s32 $0x2;
	[sflag:s8] =	ssyncadd.s32 $0xFFFFCE00  }
0x11: {  	[tilespmem:s9], [sflag:$0x3] =	stream.indirect.gather [spmem:s2], $0x1, s3, s6, $0xb8;
	[tilespmem:$0x1BC28] =	vst v63  }
0x12: {  	_ =	swait.ge [sflag:s10], $0x3200  }
0x13: {  	[sflag:s10] =	ssyncset.done $0x0  }
0x14: {  	s11 =	simm.s32 $0x9600;
	s12 =	simm.s32 $0x3;
	[sflag:s10] =	ssyncadd.s32 $0xFFFFCE00  }
0x15: {  	[tilespmem:s11], [sflag:$0x4] =	stream.indirect.gather [spmem:s2], $0x1, s6, s6, $0xb8;
	[tilespmem:$0x1BC28] =	vst v63  }
0x16: {  	_ =	swait.ge [sflag:s12], $0x3200  }
0x17: {  	s30 =	sadd.s32 $0x400, s13;
	[sflag:s12] =	ssyncset.done $0x0  }
0x18: {  	s13 =	sadd.s32 s30, s29;
	s20 =	sadd.s32 $0xC80, s29;
	[sflag:s12] =	ssyncadd.s32 $0xFFFFCE00  }
0x19: {  	[hbm4b:s13+s3] =	stream.linear.scatter [tilespmem:s9], [sflag:$0x5], $0x3200, $0x38;
	[tilespmem:$0x1BC28] =	vst v63  }
0x1a: {  	s14 =	sadd.s32 s28, s20  }
0x1b: {  	[tilespmem:s3], [sflag:$0x1] =	stream.linear.gather [hbm4b:s14+s3], $0x3200, $0x38;
	[tilespmem:$0x1BC28] =	vst v63  }
0x1c: {  	_ =	swait.ge [sflag:s8], $0x3200  }
0x1d: {  	[sflag:s8] =	ssyncset.done $0x0  }
0x1e: {  	s15 =	simm.s32 $0x5;
	[sflag:s8] =	ssyncadd.s32 $0xFFFFCE00  }
0x1f: {  	_ =	swait.ge [sflag:s15], $0x3200  }
0x20: {  	[sflag:s15] =	ssyncset.done $0x0  }
0x21: {  	s16 =	simm.s32 $0x4;
	[sflag:s15] =	ssyncadd.s32 $0xFFFFCE00  }
0x22: {  	[tilespmem:s9], [sflag:$0x3] =	stream.indirect.gather [spmem:s2], $0x1, s3, s6, $0xb8;
	[tilespmem:$0x1BC28] =	vst v63  }
0x23: {  	_ =	swait.ge [sflag:s16], $0x3200  }
0x24: {  	[sflag:s16] =	ssyncset.done $0x0  }
0x25: {  	s22 =	sadd.s32 $0x12C0, s29;
	s17 =	sadd.s32 s30, s17;
	[sflag:s16] =	ssyncadd.s32 $0xFFFFCE00  }
0x26: {  	[hbm4b:s17+s3] =	stream.linear.scatter [tilespmem:s11], [sflag:$0x6], $0x3200, $0x38;
	[tilespmem:$0x1BC28] =	vst v63  }
0x27: {  	s18 =	sadd.s32 s28, s22  }
0x28: {  	[tilespmem:s6], [sflag:$0x2] =	stream.linear.gather [hbm4b:s18+s3], $0x3200, $0x38;
	[tilespmem:$0x1BC28] =	vst v63  }
0x29: {  	_ =	swait.ge [sflag:s10], $0x3200  }
0x2a: {  	[sflag:s10] =	ssyncset.done $0x0  }
0x2b: {  	s19 =	simm.s32 $0x6;
	[sflag:s10] =	ssyncadd.s32 $0xFFFFCE00  }
0x2c: {  	_ =	swait.ge [sflag:s19], $0x3200  }
0x2d: {  	[sflag:s19] =	ssyncset.done $0x0  }
0x2e: {  	[sflag:s19] =	ssyncadd.s32 $0xFFFFCE00  }
0x2f: {  	[tilespmem:s11], [sflag:$0x4] =	stream.indirect.gather [spmem:s2], $0x1, s6, s6, $0xb8;
	[tilespmem:$0x1BC28] =	vst v63  }
0x30: {  	_ =	swait.ge [sflag:s12], $0x3200  }
0x31: {  	[sflag:s12] =	ssyncset.done $0x0  }
0x32: {  	s24 =	sadd.s32 $0x1900, s29;
	s20 =	sadd.s32 s30, s20;
	[sflag:s12] =	ssyncadd.s32 $0xFFFFCE00  }
0x33: {  	[hbm4b:s20+s3] =	stream.linear.scatter [tilespmem:s9], [sflag:$0x5], $0x3200, $0x38;
	[tilespmem:$0x1BC28] =	vst v63  }
0x34: {  	s21 =	sadd.s32 s28, s24  }
0x35: {  	[tilespmem:s3], [sflag:$0x1] =	stream.linear.gather [hbm4b:s21+s3], $0x3200, $0x38;
	[tilespmem:$0x1BC28] =	vst v63  }
0x36: {  	_ =	swait.ge [sflag:s8], $0x3200  }
0x37: {  	[sflag:s8] =	ssyncset.done $0x0  }
0x38: {  	[sflag:s8] =	ssyncadd.s32 $0xFFFFCE00  }
0x39: {  	_ =	swait.ge [sflag:s15], $0x3200  }
0x3a: {  	[sflag:s15] =	ssyncset.done $0x0  }
0x3b: {  	[sflag:s15] =	ssyncadd.s32 $0xFFFFCE00  }
0x3c: {  	[tilespmem:s9], [sflag:$0x3] =	stream.indirect.gather [spmem:s2], $0x1, s3, s6, $0xb8;
	[tilespmem:$0x1BC28] =	vst v63  }
0x3d: {  	_ =	swait.ge [sflag:s16], $0x3200  }
0x3e: {  	[sflag:s16] =	ssyncset.done $0x0  }
0x3f: {  	s26 =	sadd.s32 $0x1F40, s29;
	s22 =	sadd.s32 s30, s22;
	[sflag:s16] =	ssyncadd.s32 $0xFFFFCE00  }
0x40: {  	[hbm4b:s22+s3] =	stream.linear.scatter [tilespmem:s11], [sflag:$0x6], $0x3200, $0x38;
	[tilespmem:$0x1BC28] =	vst v63  }
0x41: {  	s23 =	sadd.s32 s28, s26  }
0x42: {  	[tilespmem:s6], [sflag:$0x2] =	stream.linear.gather [hbm4b:s23+s3], $0x3200, $0x38;
	[tilespmem:$0x1BC28] =	vst v63  }
0x43: {  	_ =	swait.ge [sflag:s10], $0x3200  }
0x44: {  	[sflag:s10] =	ssyncset.done $0x0  }
0x45: {  	[sflag:s10] =	ssyncadd.s32 $0xFFFFCE00  }
0x46: {  	_ =	swait.ge [sflag:s19], $0x3200  }
0x47: {  	[sflag:s19] =	ssyncset.done $0x0  }
0x48: {  	[sflag:s19] =	ssyncadd.s32 $0xFFFFCE00  }
0x49: {  	[tilespmem:s11], [sflag:$0x4] =	stream.indirect.gather [spmem:s2], $0x1, s6, s6, $0xb8;
	[tilespmem:$0x1BC28] =	vst v63  }
0x4a: {  	_ =	swait.ge [sflag:s12], $0x3200  }
0x4b: {  	[sflag:s12] =	ssyncset.done $0x0  }
0x4c: {  	s1 =	sadd.s32 $0x2580, s29;
	s24 =	sadd.s32 s30, s24;
	[sflag:s12] =	ssyncadd.s32 $0xFFFFCE00  }
0x4d: {  	[hbm4b:s24+s3] =	stream.linear.scatter [tilespmem:s9], [sflag:$0x5], $0x3200, $0x38;
	[tilespmem:$0x1BC28] =	vst v63  }
0x4e: {  	s25 =	sadd.s32 s28, s1  }
0x4f: {  	[tilespmem:s3], [sflag:$0x1] =	stream.linear.gather [hbm4b:s25+s3], $0x3200, $0x38;
	[tilespmem:$0x1BC28] =	vst v63  }
0x50: {  	_ =	swait.ge [sflag:s8], $0x3200  }
0x51: {  	[sflag:s8] =	ssyncset.done $0x0  }
0x52: {  	[sflag:s8] =	ssyncadd.s32 $0xFFFFCE00  }
0x53: {  	_ =	swait.ge [sflag:s15], $0x3200  }
0x54: {  	[sflag:s15] =	ssyncset.done $0x0  }
0x55: {  	[sflag:s15] =	ssyncadd.s32 $0xFFFFCE00  }
0x56: {  	[tilespmem:s9], [sflag:$0x3] =	stream.indirect.gather [spmem:s2], $0x1, s3, s6, $0xb8;
	[tilespmem:$0x1BC28] =	vst v63  }
0x57: {  	_ =	swait.ge [sflag:s16], $0x3200  }
0x58: {  	[sflag:s16] =	ssyncset.done $0x0  }
0x59: {  	s0 =	sadd.s32 $0x2BC0, s29;
	s26 =	sadd.s32 s30, s26;
	[sflag:s16] =	ssyncadd.s32 $0xFFFFCE00  }
0x5a: {  	[hbm4b:s26+s3] =	stream.linear.scatter [tilespmem:s11], [sflag:$0x6], $0x3200, $0x38;
	[tilespmem:$0x1BC28] =	vst v63  }
0x5b: {  	s28 =	sadd.s32 s28, s0  }
0x5c: {  	[tilespmem:s6], [sflag:$0x2] =	stream.linear.gather [hbm4b:s28+s3], $0x3200, $0x38;
	[tilespmem:$0x1BC28] =	vst v63  }
0x5d: {  	_ =	swait.ge [sflag:s10], $0x3200  }
0x5e: {  	[sflag:s10] =	ssyncset.done $0x0  }
0x5f: {  	[sflag:s10] =	ssyncadd.s32 $0xFFFFCE00  }
0x60: {  	_ =	swait.ge [sflag:s19], $0x3200  }
0x61: {  	[sflag:s19] =	ssyncset.done $0x0  }
0x62: {  	[sflag:s19] =	ssyncadd.s32 $0xFFFFCE00  }
0x63: {  	[tilespmem:s11], [sflag:$0x4] =	stream.indirect.gather [spmem:s2], $0x1, s6, s6, $0xb8;
	[tilespmem:$0x1BC28] =	vst v63  }
0x64: {  	s29 =	sadd.s32 s30, s1;
	_ =	swait.ge [sflag:s12], $0x3200  }
0x65: {  	s30 =	sadd.s32 s30, s0;
	s0 =	ssub.s32 $0x2, s31;
	[sflag:s12] =	ssyncset.done $0x0  }
0x66: {  	s1 =	sshrl.u32 s0, $0x1;
	[sflag:s12] =	ssyncadd.s32 $0xFFFFCE00  }
0x67: {  	[hbm4b:s29+s3] =	stream.linear.scatter [tilespmem:s9], [sflag:$0x5], $0x3200, $0x38;
	[tilespmem:$0x1BC28] =	vst v63  }
0x68: {  	s0 =	ssub.s32 s0, s1;
	_ =	swait.ge [sflag:s16], $0x3200  }
0x69: {  	s0 =	smax.u32 s0, $0x1;
	[sflag:s16] =	ssyncset.done $0x0  }
0x6a: {  	p0 =	sne.s32 s0, $0x1;
	[sflag:s16] =	ssyncadd.s32 $0xFFFFCE00  }
0x6b: {  	[hbm4b:s30+s3] =	stream.linear.scatter [tilespmem:s11], [sflag:$0x6], $0x3200, $0x38;
	[tilespmem:$0x1BC28] =	vst v63  }
.Ltmp0:
0x6c: {  	_ =	swait.ge [sflag:s15], $0x3200;
	(pc) =	sbr.rel @!p0 .LBB2_2-.Ltmp0, $4  }
0x6d: {  	[sflag:s15] =	ssyncset.done $0x0  }
0x6e: {  	[sflag:s15] =	ssyncadd.s32 $0xFFFFCE00  }
0x6f: {  	_ =	swait.ge [sflag:s19], $0x3200  }
0x70: {  	s31 =	sadd.s32 $0xFFFFFFFF, s0;
	[sflag:s19] =	ssyncset.done $0x0  }
.LBB2_1:
0x71: {  	p0 =	sne.s32 s31, $0x1;
	s31 =	sadd.s32 $0xFFFFFFFF, s31;
	[sflag:s19] =	ssyncadd.s32 $0xFFFFCE00  }
0x72: {  	[tilespmem:s3], [sflag:$0x1] =	stream.linear.gather [hbm4b:s4+s3], $0x3200, $0x38;
	[tilespmem:$0x1BC28] =	vst v63  }
0x73: {  	_ = 	snop  }
0x74: {  	[tilespmem:s6], [sflag:$0x2] =	stream.linear.gather [hbm4b:s5+s3], $0x3200, $0x38;
	[tilespmem:$0x1BC28] =	vst v63  }
0x75: {  	_ =	swait.ge [sflag:s7], $0x1  }
0x76: {  	[sflag:s7] =	ssyncset.done $0x0  }
0x77: {  	[sflag:s7] =	ssyncadd.s32 $0xFFFFFFFF  }
0x78: {  	_ =	swait.ge [sflag:s8], $0x3200  }
0x79: {  	[sflag:s8] =	ssyncset.done $0x0  }
0x7a: {  	[sflag:s8] =	ssyncadd.s32 $0xFFFFCE00  }
0x7b: {  	[tilespmem:s9], [sflag:$0x3] =	stream.indirect.gather [spmem:s2], $0x1, s3, s6, $0xb8;
	[tilespmem:$0x1BC28] =	vst v63  }
0x7c: {  	_ =	swait.ge [sflag:s10], $0x3200  }
0x7d: {  	[sflag:s10] =	ssyncset.done $0x0  }
0x7e: {  	[sflag:s10] =	ssyncadd.s32 $0xFFFFCE00  }
0x7f: {  	[tilespmem:s11], [sflag:$0x4] =	stream.indirect.gather [spmem:s2], $0x1, s6, s6, $0xb8;
	[tilespmem:$0x1BC28] =	vst v63  }
0x80: {  	_ =	swait.ge [sflag:s12], $0x3200  }
0x81: {  	[sflag:s12] =	ssyncset.done $0x0  }
0x82: {  	[sflag:s12] =	ssyncadd.s32 $0xFFFFCE00  }
0x83: {  	[hbm4b:s13+s3] =	stream.linear.scatter [tilespmem:s9], [sflag:$0x5], $0x3200, $0x38;
	[tilespmem:$0x1BC28] =	vst v63  }
0x84: {  	_ = 	snop  }
0x85: {  	[tilespmem:s3], [sflag:$0x1] =	stream.linear.gather [hbm4b:s14+s3], $0x3200, $0x38;
	[tilespmem:$0x1BC28] =	vst v63  }
0x86: {  	_ =	swait.ge [sflag:s8], $0x3200  }
0x87: {  	[sflag:s8] =	ssyncset.done $0x0  }
0x88: {  	[sflag:s8] =	ssyncadd.s32 $0xFFFFCE00  }
0x89: {  	_ =	swait.ge [sflag:s15], $0x3200  }
0x8a: {  	[sflag:s15] =	ssyncset.done $0x0  }
0x8b: {  	[sflag:s15] =	ssyncadd.s32 $0xFFFFCE00  }
0x8c: {  	[tilespmem:s9], [sflag:$0x3] =	stream.indirect.gather [spmem:s2], $0x1, s3, s6, $0xb8;
	[tilespmem:$0x1BC28] =	vst v63  }
0x8d: {  	_ =	swait.ge [sflag:s16], $0x3200  }
0x8e: {  	[sflag:s16] =	ssyncset.done $0x0  }
0x8f: {  	[sflag:s16] =	ssyncadd.s32 $0xFFFFCE00  }
0x90: {  	[hbm4b:s17+s3] =	stream.linear.scatter [tilespmem:s11], [sflag:$0x6], $0x3200, $0x38;
	[tilespmem:$0x1BC28] =	vst v63  }
0x91: {  	_ = 	snop  }
0x92: {  	[tilespmem:s6], [sflag:$0x2] =	stream.linear.gather [hbm4b:s18+s3], $0x3200, $0x38;
	[tilespmem:$0x1BC28] =	vst v63  }
0x93: {  	_ =	swait.ge [sflag:s10], $0x3200  }
0x94: {  	[sflag:s10] =	ssyncset.done $0x0  }
0x95: {  	[sflag:s10] =	ssyncadd.s32 $0xFFFFCE00  }
0x96: {  	_ =	swait.ge [sflag:s19], $0x3200  }
0x97: {  	[sflag:s19] =	ssyncset.done $0x0  }
0x98: {  	[sflag:s19] =	ssyncadd.s32 $0xFFFFCE00  }
0x99: {  	[tilespmem:s11], [sflag:$0x4] =	stream.indirect.gather [spmem:s2], $0x1, s6, s6, $0xb8;
	[tilespmem:$0x1BC28] =	vst v63  }
0x9a: {  	_ =	swait.ge [sflag:s12], $0x3200  }
0x9b: {  	[sflag:s12] =	ssyncset.done $0x0  }
0x9c: {  	[sflag:s12] =	ssyncadd.s32 $0xFFFFCE00  }
0x9d: {  	[hbm4b:s20+s3] =	stream.linear.scatter [tilespmem:s9], [sflag:$0x5], $0x3200, $0x38;
	[tilespmem:$0x1BC28] =	vst v63  }
0x9e: {  	_ = 	snop  }
0x9f: {  	[tilespmem:s3], [sflag:$0x1] =	stream.linear.gather [hbm4b:s21+s3], $0x3200, $0x38;
	[tilespmem:$0x1BC28] =	vst v63  }
0xa0: {  	_ =	swait.ge [sflag:s8], $0x3200  }
0xa1: {  	[sflag:s8] =	ssyncset.done $0x0  }
0xa2: {  	[sflag:s8] =	ssyncadd.s32 $0xFFFFCE00  }
0xa3: {  	_ =	swait.ge [sflag:s15], $0x3200  }
0xa4: {  	[sflag:s15] =	ssyncset.done $0x0  }
0xa5: {  	[sflag:s15] =	ssyncadd.s32 $0xFFFFCE00  }
0xa6: {  	[tilespmem:s9], [sflag:$0x3] =	stream.indirect.gather [spmem:s2], $0x1, s3, s6, $0xb8;
	[tilespmem:$0x1BC28] =	vst v63  }
0xa7: {  	_ =	swait.ge [sflag:s16], $0x3200  }
0xa8: {  	[sflag:s16] =	ssyncset.done $0x0  }
0xa9: {  	[sflag:s16] =	ssyncadd.s32 $0xFFFFCE00  }
0xaa: {  	[hbm4b:s22+s3] =	stream.linear.scatter [tilespmem:s11], [sflag:$0x6], $0x3200, $0x38;
	[tilespmem:$0x1BC28] =	vst v63  }
0xab: {  	_ = 	snop  }
0xac: {  	[tilespmem:s6], [sflag:$0x2] =	stream.linear.gather [hbm4b:s23+s3], $0x3200, $0x38;
	[tilespmem:$0x1BC28] =	vst v63  }
0xad: {  	_ =	swait.ge [sflag:s10], $0x3200  }
0xae: {  	[sflag:s10] =	ssyncset.done $0x0  }
0xaf: {  	[sflag:s10] =	ssyncadd.s32 $0xFFFFCE00  }
0xb0: {  	_ =	swait.ge [sflag:s19], $0x3200  }
0xb1: {  	[sflag:s19] =	ssyncset.done $0x0  }
0xb2: {  	[sflag:s19] =	ssyncadd.s32 $0xFFFFCE00  }
0xb3: {  	[tilespmem:s11], [sflag:$0x4] =	stream.indirect.gather [spmem:s2], $0x1, s6, s6, $0xb8;
	[tilespmem:$0x1BC28] =	vst v63  }
0xb4: {  	_ =	swait.ge [sflag:s12], $0x3200  }
0xb5: {  	[sflag:s12] =	ssyncset.done $0x0  }
0xb6: {  	[sflag:s12] =	ssyncadd.s32 $0xFFFFCE00  }
0xb7: {  	[hbm4b:s24+s3] =	stream.linear.scatter [tilespmem:s9], [sflag:$0x5], $0x3200, $0x38;
	[tilespmem:$0x1BC28] =	vst v63  }
0xb8: {  	_ = 	snop  }
0xb9: {  	[tilespmem:s3], [sflag:$0x1] =	stream.linear.gather [hbm4b:s25+s3], $0x3200, $0x38;
	[tilespmem:$0x1BC28] =	vst v63  }
0xba: {  	_ =	swait.ge [sflag:s8], $0x3200  }
0xbb: {  	[sflag:s8] =	ssyncset.done $0x0  }
0xbc: {  	[sflag:s8] =	ssyncadd.s32 $0xFFFFCE00  }
0xbd: {  	_ =	swait.ge [sflag:s15], $0x3200  }
0xbe: {  	[sflag:s15] =	ssyncset.done $0x0  }
0xbf: {  	[sflag:s15] =	ssyncadd.s32 $0xFFFFCE00  }
0xc0: {  	[tilespmem:s9], [sflag:$0x3] =	stream.indirect.gather [spmem:s2], $0x1, s3, s6, $0xb8;
	[tilespmem:$0x1BC28] =	vst v63  }
0xc1: {  	_ =	swait.ge [sflag:s16], $0x3200  }
0xc2: {  	[sflag:s16] =	ssyncset.done $0x0  }
0xc3: {  	[sflag:s16] =	ssyncadd.s32 $0xFFFFCE00  }
0xc4: {  	[hbm4b:s26+s3] =	stream.linear.scatter [tilespmem:s11], [sflag:$0x6], $0x3200, $0x38;
	[tilespmem:$0x1BC28] =	vst v63  }
0xc5: {  	_ = 	snop  }
0xc6: {  	[tilespmem:s6], [sflag:$0x2] =	stream.linear.gather [hbm4b:s28+s3], $0x3200, $0x38;
	[tilespmem:$0x1BC28] =	vst v63  }
0xc7: {  	_ =	swait.ge [sflag:s10], $0x3200  }
0xc8: {  	[sflag:s10] =	ssyncset.done $0x0  }
0xc9: {  	[sflag:s10] =	ssyncadd.s32 $0xFFFFCE00  }
0xca: {  	_ =	swait.ge [sflag:s19], $0x3200  }
0xcb: {  	[sflag:s19] =	ssyncset.done $0x0  }
0xcc: {  	[sflag:s19] =	ssyncadd.s32 $0xFFFFCE00  }
0xcd: {  	[tilespmem:s11], [sflag:$0x4] =	stream.indirect.gather [spmem:s2], $0x1, s6, s6, $0xb8;
	[tilespmem:$0x1BC28] =	vst v63  }
0xce: {  	_ =	swait.ge [sflag:s12], $0x3200  }
0xcf: {  	[sflag:s12] =	ssyncset.done $0x0  }
0xd0: {  	[sflag:s12] =	ssyncadd.s32 $0xFFFFCE00  }
0xd1: {  	[hbm4b:s29+s3] =	stream.linear.scatter [tilespmem:s9], [sflag:$0x5], $0x3200, $0x38;
	[tilespmem:$0x1BC28] =	vst v63  }
0xd2: {  	_ =	swait.ge [sflag:s16], $0x3200  }
0xd3: {  	[sflag:s16] =	ssyncset.done $0x0  }
0xd4: {  	[sflag:s16] =	ssyncadd.s32 $0xFFFFCE00  }
0xd5: {  	[hbm4b:s30+s3] =	stream.linear.scatter [tilespmem:s11], [sflag:$0x6], $0x3200, $0x38;
	[tilespmem:$0x1BC28] =	vst v63  }
.Ltmp1:
0xd6: {  	_ =	swait.ge [sflag:s15], $0x3200;
	(pc) =	sbr.rel @p0 .LBB2_1-.Ltmp1, $4  }
0xd7: {  	[sflag:s15] =	ssyncset.done $0x0  }
0xd8: {  	[sflag:s15] =	ssyncadd.s32 $0xFFFFCE00  }
0xd9: {  	_ =	swait.ge [sflag:s19], $0x3200  }
0xda: {  	[sflag:s19] =	ssyncset.done $0x0  }
.LBB2_2:
0xdb: {  	[sflag:s19] =	ssyncadd.s32 $0xFFFFCE00  }
0xdc: {  	_ =	sfence.sel $0x180000  }
0xdd: {  	[bflag:$0x0] =	sbarrier.arrive $0xFFFF  }
0xde: {  	_ =	strace $0x90000047  }
0xdf: {  	s0 =	stileid.u32;
	[bflag:$0x2] =	sbarrier.arrive $0xFFFF  }
0xe0: {  	p0 =	sne.s32 s0, $0x0;
	s0 =	rddreg [dreg:$0x3]  }
0xe1: {  	s0 =	sadd.s32 @!p0 $0x100000, s0  }
0xe2: {  	[sflag:s0] =	ssyncadd.tile.s32 @!p0 $0x1;
	_ =	shalt  }
.Lfunc_end2:
_tile_overlayer_lowered:
.L_overlay_start_2:
0xe3: {  	(tag) =	ssettag $0x2  }
0xe4: {  	s0 =	rddreg [dreg:$0x0];
	s2 =	stileid.u32  }
0xe5: {  	s1 =	rddreg [dreg:$0x1];
	p0 =	sne.s32 s2, $0x0  }
0xe6: {  	s3 =	rddreg [dreg:$0x2];
	[bflag:$0x3] =	sbarrier.arrive $0xFFFF;
	s2 =	simm.s32 @!p0 $0x1C08  }
0xe7: {  	[timem:s3], [sflag:s2] =	dma.local @!p0 [hbm:s0], s1  }
0xe8: {  	s0 =	simm.s32 @!p0 $0x8  }
0xe9: {  	_ =	swait.ge @!p0 [sflag:s0], s1  }
0xea: {  	s1 =	ssub.s32 @!p0 $0x0, s1;
	[sflag:s0] =	ssyncset.done @!p0 $0x0  }
0xeb: {  	[sflag:s0] =	ssyncadd.s32 @!p0 s1  }
0xec: {  	[bflag:$0x3] =	sbarrier.arrive $0xFFFF  }
0xed: {  	_ =	shalt  }

</sc_bundles>
